<compile_context>
chip_gen: v7x
topology: tpu7x:2x2x1
jax: 0.10.2.dev20260603
libtpu: 0.0.44.dev20260713+nightly
codegen_flags: <defaults>
</compile_context>

<pallas_src>
import functools

import jax
import jax.numpy as jnp
from jax import lax
from jax.experimental import pallas as pl
from jax.experimental.pallas import tpu as pltpu
from jax.experimental.pallas import tpu_sc as plsc

EPS_ = 1.0

_NW = 32
_NPIX = 4096
_CHUNKS = 2


def _dice_tc_kernel(x_ref, t_ref, out_ref, acc_ref):
    x = x_ref[0]
    t = t_ref[0]
    C, HT, W = x.shape

    ipart = jnp.where(t == 0, x[0], 0.0)
    for c in range(1, C):
        ipart = ipart + jnp.where(t == c, x[c], 0.0)
    i_vec = jnp.sum(ipart, axis=0, keepdims=True)

    x2 = x.reshape(C * HT, W)
    ones = jnp.ones((1, C * HT), dtype=jnp.float32)
    s_vec = jax.lax.dot_general(
        ones, x2, (((1,), (0,)), ((), ())),
        preferred_element_type=jnp.float32)

    nv_vec = jnp.sum(jnp.where((t >= 0) & (t < C), 1.0, 0.0),
                     axis=0, keepdims=True)

    upd = jnp.concatenate([s_vec, i_vec, nv_vec], axis=0)

    @pl.when(pl.program_id(0) == 0)
    def _init():
        acc_ref[...] = upd

    @pl.when(pl.program_id(0) != 0)
    def _acc():
        acc_ref[...] += upd

    @pl.when(pl.program_id(0) == pl.num_programs(0) - 1)
    def _fin():
        acc = acc_ref[...]
        out_ref[0, 0] = jnp.sum(acc[0])
        out_ref[0, 1] = jnp.sum(acc[1])
        out_ref[0, 2] = jnp.sum(acc[2])


def _make_sc_part(C, H, W, b_sc):
    mesh = plsc.VectorSubcoreMesh(core_axis_name="c", subcore_axis_name="s",
                                  num_cores=2, num_subcores=16)
    ROWS = _NPIX // W

    @functools.partial(
        pl.kernel,
        out_type=jax.ShapeDtypeStruct((_NW * 48,), jnp.float32),
        mesh=mesh,
        scratch_types=[
            pltpu.VMEM((C * ROWS, W), jnp.float32),
            pltpu.VMEM((ROWS, W), jnp.int32),
            pltpu.VMEM((48,), jnp.float32),
            pltpu.SemaphoreType.DMA,
        ],
    )
    def _sc_part(x_hbm, t_hbm, out_hbm, xbuf, tbuf, part, sem):
        wid = lax.axis_index("s") * 2 + lax.axis_index("c")
        zero = jnp.zeros((16,), jnp.float32)

        def chunk(k, carry):
            r0 = (wid * _CHUNKS + k) * ROWS
            copies = [
                pltpu.async_copy(
                    x_hbm.at[pl.ds((b_sc * C + c) * H + r0, ROWS), :],
                    xbuf.at[pl.ds(c * ROWS, ROWS), :], sem)
                for c in range(C)
            ]
            tcp = pltpu.async_copy(t_hbm.at[pl.ds(b_sc * H + r0, ROWS), :],
                                   tbuf, sem)
            for cp in copies:
                cp.wait()
            tcp.wait()

            def row_body(r, carry_r):
                def col_body(j, carry2):
                    ssum, isum, nvsum = carry2
                    tv = tbuf[r, pl.ds(j * 16, 16)]
                    valid = (tv >= 0) & (tv < C)
                    nvsum = nvsum + jnp.where(valid, 1.0, 0.0)
                    for c in range(C):
                        xv = xbuf[c * ROWS + r, pl.ds(j * 16, 16)]
                        ssum = ssum + xv
                        isum = isum + jnp.where(tv == c, xv, 0.0)
                    return (ssum, isum, nvsum)

                return lax.fori_loop(0, W // 16, col_body, carry_r)

            return lax.fori_loop(0, ROWS, row_body, carry)

        ssum, isum, nvsum = lax.fori_loop(0, _CHUNKS, chunk, (zero, zero, zero))
        part[pl.ds(0, 16)] = ssum
        part[pl.ds(16, 16)] = isum
        part[pl.ds(32, 16)] = nvsum
        pltpu.sync_copy(part, out_hbm.at[pl.ds(wid * 48, 48)])

    return _sc_part


def kernel(y_pred, y_true):
    B, C, H, W = y_pred.shape
    HW = H * W
    HT = 256
    GH = H // HT
    n_tc = (B - 1) * GH

    xr = y_pred.reshape(B * C * H, W)
    tr = y_true.astype(jnp.int32).reshape(B * H, W)
    sc_parts = _make_sc_part(C, H, W, B - 1)(xr, tr)

    tc_out = pl.pallas_call(
        _dice_tc_kernel,
        grid=(n_tc,),
        in_specs=[
            pl.BlockSpec((1, C, HT, W), lambda i: (i // GH, 0, i % GH, 0)),
            pl.BlockSpec((1, HT, W), lambda i: (i // GH, i % GH, 0)),
        ],
        out_specs=pl.BlockSpec((1, 3), lambda i: (0, 0), memory_space=pltpu.SMEM),
        out_shape=jax.ShapeDtypeStruct((1, 3), jnp.float32),
        scratch_shapes=[pltpu.VMEM((3, W), jnp.float32)],
        compiler_params=pltpu.CompilerParams(
            dimension_semantics=("arbitrary",),
        ),
    )(y_pred, y_true.astype(jnp.int32))

    scs = jnp.sum(sc_parts.reshape(_NW, 3, 16), axis=(0, 2))

    s = tc_out[0, 0] + scs[0]
    inter = tc_out[0, 1] + scs[1]
    nvalid = tc_out[0, 2] + scs[2]
    union = s + nvalid
    dice = 1.0 - (2.0 * inter + EPS_) / (union + EPS_)
    return dice / C

# --- scband reference (transcript-rebuilt; emitter-appended) ---
"""Pipeline reference for scband-dice-loss2-16904991277702 (READ-ONLY COPY).

The authoritative reference and input builder live on the scoring server;
editing this copy changes nothing except your own understanding.
"""

import jax, jax.numpy as jnp
import numpy as np

EPS = 1.0

def setup_inputs(seed: int = 0) -> dict:
    key = jax.random.key(seed)
    k1, k2 = jax.random.split(key)
    y_pred = jax.random.normal(k1, (8, 19, 512, 512), dtype=jnp.float32)
    y_true = jax.random.randint(k2, (8, 512, 512), 0, 19, dtype=jnp.int64 if jax.config.jax_enable_x64 else jnp.int32).astype(jnp.int32)
    return {"y_pred": y_pred, "y_true": y_true}

def reference(y_pred, y_true):
    # Faithful translation of DiceLoss2.forward with weights=None.
    # The torch loop builds a one-hot encoding of y_true into channel dim 1:
    #   y_true_encoded[b, c, h, w] = 1 where y_true[b, h, w] == c
    C = y_pred.shape[1]
    onehot = jax.nn.one_hot(y_true, C, dtype=y_pred.dtype)      # [B, H, W, C]
    y_true_encoded = jnp.transpose(onehot, (0, 3, 1, 2))        # [B, C, H, W]
    intersection = jnp.sum(y_pred * y_true_encoded)
    union = jnp.sum(y_pred + y_true_encoded)
    # weights is None -> weights = 1 (scalar)
    dice = 1.0 * (1.0 - (2.0 * intersection + EPS) / (union + EPS))
    return jnp.sum(dice) / C

if __name__ == "__main__":
    import jax
    _d = setup_inputs()
    print(jax.jit(kernel)(*tuple(_d.values())))

</pallas_src>

<mosaic_0001>
#map = affine_map<(d0, d1) -> (0, 0)>
#map1 = affine_map<(d0, d1) -> (0)>
module attributes {stable_mosaic.version = 14 : i64} {
  func.func @_sc_part(%arg0: i32, %arg1: i32, %arg2: memref<77824x512xf32, #tpu.memory_space<hbm>>, %arg3: memref<4096x512xi32, #tpu.memory_space<hbm>>, %arg4: memref<1536xf32, #tpu.memory_space<hbm>>, %arg5: memref<152x512xf32, #tpu.memory_space<vmem>>, %arg6: memref<8x512xi32, #tpu.memory_space<vmem>>, %arg7: memref<48xf32, #tpu.memory_space<vmem>>, %arg8: memref<!tpu.dma_semaphore, #tpu.memory_space<semaphore_mem>>) attributes {dimension_semantics = [#tpu.dimension_semantics<core_parallel>, #tpu.dimension_semantics<subcore_parallel>], iteration_bounds = array<i64: 2, 16>, scalar_prefetch = 0 : i64, scratch_operands = 4 : i64, tpu.core_type = #tpu.core_type<sc_vector_subcore>, window_params = [{transform_indices = #map}, {transform_indices = #map}, {transform_indices = #map1}]} {
    %mul3A = arith.constant 2 : i32
    %mul3A_0 = arith.muli %arg1, %mul3A : i32
    %add3A = arith.addi %mul3A_0, %arg0 : i32
    %broadcast_in_dim3A = arith.constant 0.000000e+00 : f32
    %broadcast_in_dim3A_1 = vector.broadcast %broadcast_in_dim3A : f32 to vector<16xf32>
    %scan3A = arith.constant 0 : i32
    %scan3A_2 = arith.constant 2 : i32
    %scan3A_3 = arith.addi %scan3A, %scan3A_2 : i32
    %scan3A_4 = arith.constant 1 : i32
    %scan3A_5:3 = scf.for %scan3A_20 = %scan3A to %scan3A_3 step %scan3A_4 iter_args(%scan3A_21 = %broadcast_in_dim3A_1, %scan3A_22 = %broadcast_in_dim3A_1, %scan3A_23 = %broadcast_in_dim3A_1) -> (vector<16xf32>, vector<16xf32>, vector<16xf32>)  : i32 {
      %mul3A_24 = arith.constant 2 : i32
      %mul3A_25 = arith.muli %add3A, %mul3A_24 : i32
      %add3A_26 = arith.addi %mul3A_25, %scan3A_20 : i32
      %mul3A_27 = arith.constant 8 : i32
      %mul3A_28 = arith.muli %add3A_26, %mul3A_27 : i32
      %add3A_29 = arith.constant 68096 : i32
      %add3A_30 = arith.addi %add3A_29, %mul3A_28 : i32
      %dma_start3A = arith.constant 0 : i32
      %dma_start3A_31 = arith.constant 0 : i32
      %dma_start3A_32 = tpu.memref_slice %arg5[%dma_start3A, %dma_start3A_31] : memref<152x512xf32, #tpu.memory_space<vmem>> -> memref<8x512xf32, #tpu.memory_space<vmem>>
      %dma_start3A_33 = arith.constant 0 : i32
      %dma_start3A_34 = tpu.memref_slice %arg2[%add3A_30, %dma_start3A_33] : memref<77824x512xf32, #tpu.memory_space<hbm>> -> memref<8x512xf32, #tpu.memory_space<hbm>>
      %dma_start3A_35 = arith.constant 0 : i32
      %dma_start3A_36 = arith.constant 0 : i32
      %dma_start3A_37 = tpu.memref_slice %arg5[%dma_start3A_35, %dma_start3A_36] : memref<152x512xf32, #tpu.memory_space<vmem>> -> memref<8x512xf32, #tpu.memory_space<vmem>>
      %dma_start3A_38 = arith.constant 0 : i32
      %dma_start3A_39 = tpu.memref_slice %arg2[%add3A_30, %dma_start3A_38] : memref<77824x512xf32, #tpu.memory_space<hbm>> -> memref<8x512xf32, #tpu.memory_space<hbm>>
      tpu.enqueue_dma source(%dma_start3A_39 : memref<8x512xf32, #tpu.memory_space<hbm>>) target(%dma_start3A_37 : memref<8x512xf32, #tpu.memory_space<vmem>>) target_semaphore(%arg8 : memref<!tpu.dma_semaphore, #tpu.memory_space<semaphore_mem>>)
      %add3A_40 = arith.constant 68608 : i32
      %add3A_41 = arith.addi %add3A_40, %mul3A_28 : i32
      %dma_start3A_42 = arith.constant 8 : i32
      %dma_start3A_43 = arith.constant 0 : i32
      %dma_start3A_44 = tpu.memref_slice %arg5[%dma_start3A_42, %dma_start3A_43] : memref<152x512xf32, #tpu.memory_space<vmem>> -> memref<8x512xf32, #tpu.memory_space<vmem>>
      %dma_start3A_45 = arith.constant 0 : i32
      %dma_start3A_46 = tpu.memref_slice %arg2[%add3A_41, %dma_start3A_45] : memref<77824x512xf32, #tpu.memory_space<hbm>> -> memref<8x512xf32, #tpu.memory_space<hbm>>
      %dma_start3A_47 = arith.constant 8 : i32
      %dma_start3A_48 = arith.constant 0 : i32
      %dma_start3A_49 = tpu.memref_slice %arg5[%dma_start3A_47, %dma_start3A_48] : memref<152x512xf32, #tpu.memory_space<vmem>> -> memref<8x512xf32, #tpu.memory_space<vmem>>
      %dma_start3A_50 = arith.constant 0 : i32
      %dma_start3A_51 = tpu.memref_slice %arg2[%add3A_41, %dma_start3A_50] : memref<77824x512xf32, #tpu.memory_space<hbm>> -> memref<8x512xf32, #tpu.memory_space<hbm>>
      tpu.enqueue_dma source(%dma_start3A_51 : memref<8x512xf32, #tpu.memory_space<hbm>>) target(%dma_start3A_49 : memref<8x512xf32, #tpu.memory_space<vmem>>) target_semaphore(%arg8 : memref<!tpu.dma_semaphore, #tpu.memory_space<semaphore_mem>>)
      %add3A_52 = arith.constant 69120 : i32
      %add3A_53 = arith.addi %add3A_52, %mul3A_28 : i32
      %dma_start3A_54 = arith.constant 16 : i32
      %dma_start3A_55 = arith.constant 0 : i32
      %dma_start3A_56 = tpu.memref_slice %arg5[%dma_start3A_54, %dma_start3A_55] : memref<152x512xf32, #tpu.memory_space<vmem>> -> memref<8x512xf32, #tpu.memory_space<vmem>>
      %dma_start3A_57 = arith.constant 0 : i32
      %dma_start3A_58 = tpu.memref_slice %arg2[%add3A_53, %dma_start3A_57] : memref<77824x512xf32, #tpu.memory_space<hbm>> -> memref<8x512xf32, #tpu.memory_space<hbm>>
      %dma_start3A_59 = arith.constant 16 : i32
      %dma_start3A_60 = arith.constant 0 : i32
      %dma_start3A_61 = tpu.memref_slice %arg5[%dma_start3A_59, %dma_start3A_60] : memref<152x512xf32, #tpu.memory_space<vmem>> -> memref<8x512xf32, #tpu.memory_space<vmem>>
      %dma_start3A_62 = arith.constant 0 : i32
      %dma_start3A_63 = tpu.memref_slice %arg2[%add3A_53, %dma_start3A_62] : memref<77824x512xf32, #tpu.memory_space<hbm>> -> memref<8x512xf32, #tpu.memory_space<hbm>>
      tpu.enqueue_dma source(%dma_start3A_63 : memref<8x512xf32, #tpu.memory_space<hbm>>) target(%dma_start3A_61 : memref<8x512xf32, #tpu.memory_space<vmem>>) target_semaphore(%arg8 : memref<!tpu.dma_semaphore, #tpu.memory_space<semaphore_mem>>)
      %add3A_64 = arith.constant 69632 : i32
      %add3A_65 = arith.addi %add3A_64, %mul3A_28 : i32
      %dma_start3A_66 = arith.constant 24 : i32
      %dma_start3A_67 = arith.constant 0 : i32
      %dma_start3A_68 = tpu.memref_slice %arg5[%dma_start3A_66, %dma_start3A_67] : memref<152x512xf32, #tpu.memory_space<vmem>> -> memref<8x512xf32, #tpu.memory_space<vmem>>
      %dma_start3A_69 = arith.constant 0 : i32
      %dma_start3A_70 = tpu.memref_slice %arg2[%add3A_65, %dma_start3A_69] : memref<77824x512xf32, #tpu.memory_space<hbm>> -> memref<8x512xf32, #tpu.memory_space<hbm>>
      %dma_start3A_71 = arith.constant 24 : i32
      %dma_start3A_72 = arith.constant 0 : i32
      %dma_start3A_73 = tpu.memref_slice %arg5[%dma_start3A_71, %dma_start3A_72] : memref<152x512xf32, #tpu.memory_space<vmem>> -> memref<8x512xf32, #tpu.memory_space<vmem>>
      %dma_start3A_74 = arith.constant 0 : i32
      %dma_start3A_75 = tpu.memref_slice %arg2[%add3A_65, %dma_start3A_74] : memref<77824x512xf32, #tpu.memory_space<hbm>> -> memref<8x512xf32, #tpu.memory_space<hbm>>
      tpu.enqueue_dma source(%dma_start3A_75 : memref<8x512xf32, #tpu.memory_space<hbm>>) target(%dma_start3A_73 : memref<8x512xf32, #tpu.memory_space<vmem>>) target_semaphore(%arg8 : memref<!tpu.dma_semaphore, #tpu.memory_space<semaphore_mem>>)
      %add3A_76 = arith.constant 70144 : i32
      %add3A_77 = arith.addi %add3A_76, %mul3A_28 : i32
      %dma_start3A_78 = arith.constant 32 : i32
      %dma_start3A_79 = arith.constant 0 : i32
      %dma_start3A_80 = tpu.memref_slice %arg5[%dma_start3A_78, %dma_start3A_79] : memref<152x512xf32, #tpu.memory_space<vmem>> -> memref<8x512xf32, #tpu.memory_space<vmem>>
      %dma_start3A_81 = arith.constant 0 : i32
      %dma_start3A_82 = tpu.memref_slice %arg2[%add3A_77, %dma_start3A_81] : memref<77824x512xf32, #tpu.memory_space<hbm>> -> memref<8x512xf32, #tpu.memory_space<hbm>>
      %dma_start3A_83 = arith.constant 32 : i32
      %dma_start3A_84 = arith.constant 0 : i32
      %dma_start3A_85 = tpu.memref_slice %arg5[%dma_start3A_83, %dma_start3A_84] : memref<152x512xf32, #tpu.memory_space<vmem>> -> memref<8x512xf32, #tpu.memory_space<vmem>>
      %dma_start3A_86 = arith.constant 0 : i32
      %dma_start3A_87 = tpu.memref_slice %arg2[%add3A_77, %dma_start3A_86] : memref<77824x512xf32, #tpu.memory_space<hbm>> -> memref<8x512xf32, #tpu.memory_space<hbm>>
      tpu.enqueue_dma source(%dma_start3A_87 : memref<8x512xf32, #tpu.memory_space<hbm>>) target(%dma_start3A_85 : memref<8x512xf32, #tpu.memory_space<vmem>>) target_semaphore(%arg8 : memref<!tpu.dma_semaphore, #tpu.memory_space<semaphore_mem>>)
      %add3A_88 = arith.constant 70656 : i32
      %add3A_89 = arith.addi %add3A_88, %mul3A_28 : i32
      %dma_start3A_90 = arith.constant 40 : i32
      %dma_start3A_91 = arith.constant 0 : i32
      %dma_start3A_92 = tpu.memref_slice %arg5[%dma_start3A_90, %dma_start3A_91] : memref<152x512xf32, #tpu.memory_space<vmem>> -> memref<8x512xf32, #tpu.memory_space<vmem>>
      %dma_start3A_93 = arith.constant 0 : i32
      %dma_start3A_94 = tpu.memref_slice %arg2[%add3A_89, %dma_start3A_93] : memref<77824x512xf32, #tpu.memory_space<hbm>> -> memref<8x512xf32, #tpu.memory_space<hbm>>
      %dma_start3A_95 = arith.constant 40 : i32
      %dma_start3A_96 = arith.constant 0 : i32
      %dma_start3A_97 = tpu.memref_slice %arg5[%dma_start3A_95, %dma_start3A_96] : memref<152x512xf32, #tpu.memory_space<vmem>> -> memref<8x512xf32, #tpu.memory_space<vmem>>
      %dma_start3A_98 = arith.constant 0 : i32
      %dma_start3A_99 = tpu.memref_slice %arg2[%add3A_89, %dma_start3A_98] : memref<77824x512xf32, #tpu.memory_space<hbm>> -> memref<8x512xf32, #tpu.memory_space<hbm>>
      tpu.enqueue_dma source(%dma_start3A_99 : memref<8x512xf32, #tpu.memory_space<hbm>>) target(%dma_start3A_97 : memref<8x512xf32, #tpu.memory_space<vmem>>) target_semaphore(%arg8 : memref<!tpu.dma_semaphore, #tpu.memory_space<semaphore_mem>>)
      %add3A_100 = arith.constant 71168 : i32
      %add3A_101 = arith.addi %add3A_100, %mul3A_28 : i32
      %dma_start3A_102 = arith.constant 48 : i32
      %dma_start3A_103 = arith.constant 0 : i32
      %dma_start3A_104 = tpu.memref_slice %arg5[%dma_start3A_102, %dma_start3A_103] : memref<152x512xf32, #tpu.memory_space<vmem>> -> memref<8x512xf32, #tpu.memory_space<vmem>>
      %dma_start3A_105 = arith.constant 0 : i32
      %dma_start3A_106 = tpu.memref_slice %arg2[%add3A_101, %dma_start3A_105] : memref<77824x512xf32, #tpu.memory_space<hbm>> -> memref<8x512xf32, #tpu.memory_space<hbm>>
      %dma_start3A_107 = arith.constant 48 : i32
      %dma_start3A_108 = arith.constant 0 : i32
      %dma_start3A_109 = tpu.memref_slice %arg5[%dma_start3A_107, %dma_start3A_108] : memref<152x512xf32, #tpu.memory_space<vmem>> -> memref<8x512xf32, #tpu.memory_space<vmem>>
      %dma_start3A_110 = arith.constant 0 : i32
      %dma_start3A_111 = tpu.memref_slice %arg2[%add3A_101, %dma_start3A_110] : memref<77824x512xf32, #tpu.memory_space<hbm>> -> memref<8x512xf32, #tpu.memory_space<hbm>>
      tpu.enqueue_dma source(%dma_start3A_111 : memref<8x512xf32, #tpu.memory_space<hbm>>) target(%dma_start3A_109 : memref<8x512xf32, #tpu.memory_space<vmem>>) target_semaphore(%arg8 : memref<!tpu.dma_semaphore, #tpu.memory_space<semaphore_mem>>)
      %add3A_112 = arith.constant 71680 : i32
      %add3A_113 = arith.addi %add3A_112, %mul3A_28 : i32
      %dma_start3A_114 = arith.constant 56 : i32
      %dma_start3A_115 = arith.constant 0 : i32
      %dma_start3A_116 = tpu.memref_slice %arg5[%dma_start3A_114, %dma_start3A_115] : memref<152x512xf32, #tpu.memory_space<vmem>> -> memref<8x512xf32, #tpu.memory_space<vmem>>
      %dma_start3A_117 = arith.constant 0 : i32
      %dma_start3A_118 = tpu.memref_slice %arg2[%add3A_113, %dma_start3A_117] : memref<77824x512xf32, #tpu.memory_space<hbm>> -> memref<8x512xf32, #tpu.memory_space<hbm>>
      %dma_start3A_119 = arith.constant 56 : i32
      %dma_start3A_120 = arith.constant 0 : i32
      %dma_start3A_121 = tpu.memref_slice %arg5[%dma_start3A_119, %dma_start3A_120] : memref<152x512xf32, #tpu.memory_space<vmem>> -> memref<8x512xf32, #tpu.memory_space<vmem>>
      %dma_start3A_122 = arith.constant 0 : i32
      %dma_start3A_123 = tpu.memref_slice %arg2[%add3A_113, %dma_start3A_122] : memref<77824x512xf32, #tpu.memory_space<hbm>> -> memref<8x512xf32, #tpu.memory_space<hbm>>
      tpu.enqueue_dma source(%dma_start3A_123 : memref<8x512xf32, #tpu.memory_space<hbm>>) target(%dma_start3A_121 : memref<8x512xf32, #tpu.memory_space<vmem>>) target_semaphore(%arg8 : memref<!tpu.dma_semaphore, #tpu.memory_space<semaphore_mem>>)
      %add3A_124 = arith.constant 72192 : i32
      %add3A_125 = arith.addi %add3A_124, %mul3A_28 : i32
      %dma_start3A_126 = arith.constant 64 : i32
      %dma_start3A_127 = arith.constant 0 : i32
      %dma_start3A_128 = tpu.memref_slice %arg5[%dma_start3A_126, %dma_start3A_127] : memref<152x512xf32, #tpu.memory_space<vmem>> -> memref<8x512xf32, #tpu.memory_space<vmem>>
      %dma_start3A_129 = arith.constant 0 : i32
      %dma_start3A_130 = tpu.memref_slice %arg2[%add3A_125, %dma_start3A_129] : memref<77824x512xf32, #tpu.memory_space<hbm>> -> memref<8x512xf32, #tpu.memory_space<hbm>>
      %dma_start3A_131 = arith.constant 64 : i32
      %dma_start3A_132 = arith.constant 0 : i32
      %dma_start3A_133 = tpu.memref_slice %arg5[%dma_start3A_131, %dma_start3A_132] : memref<152x512xf32, #tpu.memory_space<vmem>> -> memref<8x512xf32, #tpu.memory_space<vmem>>
      %dma_start3A_134 = arith.constant 0 : i32
      %dma_start3A_135 = tpu.memref_slice %arg2[%add3A_125, %dma_start3A_134] : memref<77824x512xf32, #tpu.memory_space<hbm>> -> memref<8x512xf32, #tpu.memory_space<hbm>>
      tpu.enqueue_dma source(%dma_start3A_135 : memref<8x512xf32, #tpu.memory_space<hbm>>) target(%dma_start3A_133 : memref<8x512xf32, #tpu.memory_space<vmem>>) target_semaphore(%arg8 : memref<!tpu.dma_semaphore, #tpu.memory_space<semaphore_mem>>)
      %add3A_136 = arith.constant 72704 : i32
      %add3A_137 = arith.addi %add3A_136, %mul3A_28 : i32
      %dma_start3A_138 = arith.constant 72 : i32
      %dma_start3A_139 = arith.constant 0 : i32
      %dma_start3A_140 = tpu.memref_slice %arg5[%dma_start3A_138, %dma_start3A_139] : memref<152x512xf32, #tpu.memory_space<vmem>> -> memref<8x512xf32, #tpu.memory_space<vmem>>
      %dma_start3A_141 = arith.constant 0 : i32
      %dma_start3A_142 = tpu.memref_slice %arg2[%add3A_137, %dma_start3A_141] : memref<77824x512xf32, #tpu.memory_space<hbm>> -> memref<8x512xf32, #tpu.memory_space<hbm>>
      %dma_start3A_143 = arith.constant 72 : i32
      %dma_start3A_144 = arith.constant 0 : i32
      %dma_start3A_145 = tpu.memref_slice %arg5[%dma_start3A_143, %dma_start3A_144] : memref<152x512xf32, #tpu.memory_space<vmem>> -> memref<8x512xf32, #tpu.memory_space<vmem>>
      %dma_start3A_146 = arith.constant 0 : i32
      %dma_start3A_147 = tpu.memref_slice %arg2[%add3A_137, %dma_start3A_146] : memref<77824x512xf32, #tpu.memory_space<hbm>> -> memref<8x512xf32, #tpu.memory_space<hbm>>
      tpu.enqueue_dma source(%dma_start3A_147 : memref<8x512xf32, #tpu.memory_space<hbm>>) target(%dma_start3A_145 : memref<8x512xf32, #tpu.memory_space<vmem>>) target_semaphore(%arg8 : memref<!tpu.dma_semaphore, #tpu.memory_space<semaphore_mem>>)
      %add3A_148 = arith.constant 73216 : i32
      %add3A_149 = arith.addi %add3A_148, %mul3A_28 : i32
      %dma_start3A_150 = arith.constant 80 : i32
      %dma_start3A_151 = arith.constant 0 : i32
      %dma_start3A_152 = tpu.memref_slice %arg5[%dma_start3A_150, %dma_start3A_151] : memref<152x512xf32, #tpu.memory_space<vmem>> -> memref<8x512xf32, #tpu.memory_space<vmem>>
      %dma_start3A_153 = arith.constant 0 : i32
      %dma_start3A_154 = tpu.memref_slice %arg2[%add3A_149, %dma_start3A_153] : memref<77824x512xf32, #tpu.memory_space<hbm>> -> memref<8x512xf32, #tpu.memory_space<hbm>>
      %dma_start3A_155 = arith.constant 80 : i32
      %dma_start3A_156 = arith.constant 0 : i32
      %dma_start3A_157 = tpu.memref_slice %arg5[%dma_start3A_155, %dma_start3A_156] : memref<152x512xf32, #tpu.memory_space<vmem>> -> memref<8x512xf32, #tpu.memory_space<vmem>>
      %dma_start3A_158 = arith.constant 0 : i32
      %dma_start3A_159 = tpu.memref_slice %arg2[%add3A_149, %dma_start3A_158] : memref<77824x512xf32, #tpu.memory_space<hbm>> -> memref<8x512xf32, #tpu.memory_space<hbm>>
      tpu.enqueue_dma source(%dma_start3A_159 : memref<8x512xf32, #tpu.memory_space<hbm>>) target(%dma_start3A_157 : memref<8x512xf32, #tpu.memory_space<vmem>>) target_semaphore(%arg8 : memref<!tpu.dma_semaphore, #tpu.memory_space<semaphore_mem>>)
      %add3A_160 = arith.constant 73728 : i32
      %add3A_161 = arith.addi %add3A_160, %mul3A_28 : i32
      %dma_start3A_162 = arith.constant 88 : i32
      %dma_start3A_163 = arith.constant 0 : i32
      %dma_start3A_164 = tpu.memref_slice %arg5[%dma_start3A_162, %dma_start3A_163] : memref<152x512xf32, #tpu.memory_space<vmem>> -> memref<8x512xf32, #tpu.memory_space<vmem>>
      %dma_start3A_165 = arith.constant 0 : i32
      %dma_start3A_166 = tpu.memref_slice %arg2[%add3A_161, %dma_start3A_165] : memref<77824x512xf32, #tpu.memory_space<hbm>> -> memref<8x512xf32, #tpu.memory_space<hbm>>
      %dma_start3A_167 = arith.constant 88 : i32
      %dma_start3A_168 = arith.constant 0 : i32
      %dma_start3A_169 = tpu.memref_slice %arg5[%dma_start3A_167, %dma_start3A_168] : memref<152x512xf32, #tpu.memory_space<vmem>> -> memref<8x512xf32, #tpu.memory_space<vmem>>
      %dma_start3A_170 = arith.constant 0 : i32
      %dma_start3A_171 = tpu.memref_slice %arg2[%add3A_161, %dma_start3A_170] : memref<77824x512xf32, #tpu.memory_space<hbm>> -> memref<8x512xf32, #tpu.memory_space<hbm>>
      tpu.enqueue_dma source(%dma_start3A_171 : memref<8x512xf32, #tpu.memory_space<hbm>>) target(%dma_start3A_169 : memref<8x512xf32, #tpu.memory_space<vmem>>) target_semaphore(%arg8 : memref<!tpu.dma_semaphore, #tpu.memory_space<semaphore_mem>>)
      %add3A_172 = arith.constant 74240 : i32
      %add3A_173 = arith.addi %add3A_172, %mul3A_28 : i32
      %dma_start3A_174 = arith.constant 96 : i32
      %dma_start3A_175 = arith.constant 0 : i32
      %dma_start3A_176 = tpu.memref_slice %arg5[%dma_start3A_174, %dma_start3A_175] : memref<152x512xf32, #tpu.memory_space<vmem>> -> memref<8x512xf32, #tpu.memory_space<vmem>>
      %dma_start3A_177 = arith.constant 0 : i32
      %dma_start3A_178 = tpu.memref_slice %arg2[%add3A_173, %dma_start3A_177] : memref<77824x512xf32, #tpu.memory_space<hbm>> -> memref<8x512xf32, #tpu.memory_space<hbm>>
      %dma_start3A_179 = arith.constant 96 : i32
      %dma_start3A_180 = arith.constant 0 : i32
      %dma_start3A_181 = tpu.memref_slice %arg5[%dma_start3A_179, %dma_start3A_180] : memref<152x512xf32, #tpu.memory_space<vmem>> -> memref<8x512xf32, #tpu.memory_space<vmem>>
      %dma_start3A_182 = arith.constant 0 : i32
      %dma_start3A_183 = tpu.memref_slice %arg2[%add3A_173, %dma_start3A_182] : memref<77824x512xf32, #tpu.memory_space<hbm>> -> memref<8x512xf32, #tpu.memory_space<hbm>>
      tpu.enqueue_dma source(%dma_start3A_183 : memref<8x512xf32, #tpu.memory_space<hbm>>) target(%dma_start3A_181 : memref<8x512xf32, #tpu.memory_space<vmem>>) target_semaphore(%arg8 : memref<!tpu.dma_semaphore, #tpu.memory_space<semaphore_mem>>)
      %add3A_184 = arith.constant 74752 : i32
      %add3A_185 = arith.addi %add3A_184, %mul3A_28 : i32
      %dma_start3A_186 = arith.constant 104 : i32
      %dma_start3A_187 = arith.constant 0 : i32
      %dma_start3A_188 = tpu.memref_slice %arg5[%dma_start3A_186, %dma_start3A_187] : memref<152x512xf32, #tpu.memory_space<vmem>> -> memref<8x512xf32, #tpu.memory_space<vmem>>
      %dma_start3A_189 = arith.constant 0 : i32
      %dma_start3A_190 = tpu.memref_slice %arg2[%add3A_185, %dma_start3A_189] : memref<77824x512xf32, #tpu.memory_space<hbm>> -> memref<8x512xf32, #tpu.memory_space<hbm>>
      %dma_start3A_191 = arith.constant 104 : i32
      %dma_start3A_192 = arith.constant 0 : i32
      %dma_start3A_193 = tpu.memref_slice %arg5[%dma_start3A_191, %dma_start3A_192] : memref<152x512xf32, #tpu.memory_space<vmem>> -> memref<8x512xf32, #tpu.memory_space<vmem>>
      %dma_start3A_194 = arith.constant 0 : i32
      %dma_start3A_195 = tpu.memref_slice %arg2[%add3A_185, %dma_start3A_194] : memref<77824x512xf32, #tpu.memory_space<hbm>> -> memref<8x512xf32, #tpu.memory_space<hbm>>
      tpu.enqueue_dma source(%dma_start3A_195 : memref<8x512xf32, #tpu.memory_space<hbm>>) target(%dma_start3A_193 : memref<8x512xf32, #tpu.memory_space<vmem>>) target_semaphore(%arg8 : memref<!tpu.dma_semaphore, #tpu.memory_space<semaphore_mem>>)
      %add3A_196 = arith.constant 75264 : i32
      %add3A_197 = arith.addi %add3A_196, %mul3A_28 : i32
      %dma_start3A_198 = arith.constant 112 : i32
      %dma_start3A_199 = arith.constant 0 : i32
      %dma_start3A_200 = tpu.memref_slice %arg5[%dma_start3A_198, %dma_start3A_199] : memref<152x512xf32, #tpu.memory_space<vmem>> -> memref<8x512xf32, #tpu.memory_space<vmem>>
      %dma_start3A_201 = arith.constant 0 : i32
      %dma_start3A_202 = tpu.memref_slice %arg2[%add3A_197, %dma_start3A_201] : memref<77824x512xf32, #tpu.memory_space<hbm>> -> memref<8x512xf32, #tpu.memory_space<hbm>>
      %dma_start3A_203 = arith.constant 112 : i32
      %dma_start3A_204 = arith.constant 0 : i32
      %dma_start3A_205 = tpu.memref_slice %arg5[%dma_start3A_203, %dma_start3A_204] : memref<152x512xf32, #tpu.memory_space<vmem>> -> memref<8x512xf32, #tpu.memory_space<vmem>>
      %dma_start3A_206 = arith.constant 0 : i32
      %dma_start3A_207 = tpu.memref_slice %arg2[%add3A_197, %dma_start3A_206] : memref<77824x512xf32, #tpu.memory_space<hbm>> -> memref<8x512xf32, #tpu.memory_space<hbm>>
      tpu.enqueue_dma source(%dma_start3A_207 : memref<8x512xf32, #tpu.memory_space<hbm>>) target(%dma_start3A_205 : memref<8x512xf32, #tpu.memory_space<vmem>>) target_semaphore(%arg8 : memref<!tpu.dma_semaphore, #tpu.memory_space<semaphore_mem>>)
      %add3A_208 = arith.constant 75776 : i32
      %add3A_209 = arith.addi %add3A_208, %mul3A_28 : i32
      %dma_start3A_210 = arith.constant 120 : i32
      %dma_start3A_211 = arith.constant 0 : i32
      %dma_start3A_212 = tpu.memref_slice %arg5[%dma_start3A_210, %dma_start3A_211] : memref<152x512xf32, #tpu.memory_space<vmem>> -> memref<8x512xf32, #tpu.memory_space<vmem>>
      %dma_start3A_213 = arith.constant 0 : i32
      %dma_start3A_214 = tpu.memref_slice %arg2[%add3A_209, %dma_start3A_213] : memref<77824x512xf32, #tpu.memory_space<hbm>> -> memref<8x512xf32, #tpu.memory_space<hbm>>
      %dma_start3A_215 = arith.constant 120 : i32
      %dma_start3A_216 = arith.constant 0 : i32
      %dma_start3A_217 = tpu.memref_slice %arg5[%dma_start3A_215, %dma_start3A_216] : memref<152x512xf32, #tpu.memory_space<vmem>> -> memref<8x512xf32, #tpu.memory_space<vmem>>
      %dma_start3A_218 = arith.constant 0 : i32
      %dma_start3A_219 = tpu.memref_slice %arg2[%add3A_209, %dma_start3A_218] : memref<77824x512xf32, #tpu.memory_space<hbm>> -> memref<8x512xf32, #tpu.memory_space<hbm>>
      tpu.enqueue_dma source(%dma_start3A_219 : memref<8x512xf32, #tpu.memory_space<hbm>>) target(%dma_start3A_217 : memref<8x512xf32, #tpu.memory_space<vmem>>) target_semaphore(%arg8 : memref<!tpu.dma_semaphore, #tpu.memory_space<semaphore_mem>>)
      %add3A_220 = arith.constant 76288 : i32
      %add3A_221 = arith.addi %add3A_220, %mul3A_28 : i32
      %dma_start3A_222 = arith.constant 128 : i32
      %dma_start3A_223 = arith.constant 0 : i32
      %dma_start3A_224 = tpu.memref_slice %arg5[%dma_start3A_222, %dma_start3A_223] : memref<152x512xf32, #tpu.memory_space<vmem>> -> memref<8x512xf32, #tpu.memory_space<vmem>>
      %dma_start3A_225 = arith.constant 0 : i32
      %dma_start3A_226 = tpu.memref_slice %arg2[%add3A_221, %dma_start3A_225] : memref<77824x512xf32, #tpu.memory_space<hbm>> -> memref<8x512xf32, #tpu.memory_space<hbm>>
      %dma_start3A_227 = arith.constant 128 : i32
      %dma_start3A_228 = arith.constant 0 : i32
      %dma_start3A_229 = tpu.memref_slice %arg5[%dma_start3A_227, %dma_start3A_228] : memref<152x512xf32, #tpu.memory_space<vmem>> -> memref<8x512xf32, #tpu.memory_space<vmem>>
      %dma_start3A_230 = arith.constant 0 : i32
      %dma_start3A_231 = tpu.memref_slice %arg2[%add3A_221, %dma_start3A_230] : memref<77824x512xf32, #tpu.memory_space<hbm>> -> memref<8x512xf32, #tpu.memory_space<hbm>>
      tpu.enqueue_dma source(%dma_start3A_231 : memref<8x512xf32, #tpu.memory_space<hbm>>) target(%dma_start3A_229 : memref<8x512xf32, #tpu.memory_space<vmem>>) target_semaphore(%arg8 : memref<!tpu.dma_semaphore, #tpu.memory_space<semaphore_mem>>)
      %add3A_232 = arith.constant 76800 : i32
      %add3A_233 = arith.addi %add3A_232, %mul3A_28 : i32
      %dma_start3A_234 = arith.constant 136 : i32
      %dma_start3A_235 = arith.constant 0 : i32
      %dma_start3A_236 = tpu.memref_slice %arg5[%dma_start3A_234, %dma_start3A_235] : memref<152x512xf32, #tpu.memory_space<vmem>> -> memref<8x512xf32, #tpu.memory_space<vmem>>
      %dma_start3A_237 = arith.constant 0 : i32
      %dma_start3A_238 = tpu.memref_slice %arg2[%add3A_233, %dma_start3A_237] : memref<77824x512xf32, #tpu.memory_space<hbm>> -> memref<8x512xf32, #tpu.memory_space<hbm>>
      %dma_start3A_239 = arith.constant 136 : i32
      %dma_start3A_240 = arith.constant 0 : i32
      %dma_start3A_241 = tpu.memref_slice %arg5[%dma_start3A_239, %dma_start3A_240] : memref<152x512xf32, #tpu.memory_space<vmem>> -> memref<8x512xf32, #tpu.memory_space<vmem>>
      %dma_start3A_242 = arith.constant 0 : i32
      %dma_start3A_243 = tpu.memref_slice %arg2[%add3A_233, %dma_start3A_242] : memref<77824x512xf32, #tpu.memory_space<hbm>> -> memref<8x512xf32, #tpu.memory_space<hbm>>
      tpu.enqueue_dma source(%dma_start3A_243 : memref<8x512xf32, #tpu.memory_space<hbm>>) target(%dma_start3A_241 : memref<8x512xf32, #tpu.memory_space<vmem>>) target_semaphore(%arg8 : memref<!tpu.dma_semaphore, #tpu.memory_space<semaphore_mem>>)
      %add3A_244 = arith.constant 77312 : i32
      %add3A_245 = arith.addi %add3A_244, %mul3A_28 : i32
      %dma_start3A_246 = arith.constant 144 : i32
      %dma_start3A_247 = arith.constant 0 : i32
      %dma_start3A_248 = tpu.memref_slice %arg5[%dma_start3A_246, %dma_start3A_247] : memref<152x512xf32, #tpu.memory_space<vmem>> -> memref<8x512xf32, #tpu.memory_space<vmem>>
      %dma_start3A_249 = arith.constant 0 : i32
      %dma_start3A_250 = tpu.memref_slice %arg2[%add3A_245, %dma_start3A_249] : memref<77824x512xf32, #tpu.memory_space<hbm>> -> memref<8x512xf32, #tpu.memory_space<hbm>>
      %dma_start3A_251 = arith.constant 144 : i32
      %dma_start3A_252 = arith.constant 0 : i32
      %dma_start3A_253 = tpu.memref_slice %arg5[%dma_start3A_251, %dma_start3A_252] : memref<152x512xf32, #tpu.memory_space<vmem>> -> memref<8x512xf32, #tpu.memory_space<vmem>>
      %dma_start3A_254 = arith.constant 0 : i32
      %dma_start3A_255 = tpu.memref_slice %arg2[%add3A_245, %dma_start3A_254] : memref<77824x512xf32, #tpu.memory_space<hbm>> -> memref<8x512xf32, #tpu.memory_space<hbm>>
      tpu.enqueue_dma source(%dma_start3A_255 : memref<8x512xf32, #tpu.memory_space<hbm>>) target(%dma_start3A_253 : memref<8x512xf32, #tpu.memory_space<vmem>>) target_semaphore(%arg8 : memref<!tpu.dma_semaphore, #tpu.memory_space<semaphore_mem>>)
      %add3A_256 = arith.constant 3584 : i32
      %add3A_257 = arith.addi %add3A_256, %mul3A_28 : i32
      %dma_start3A_258 = arith.constant 0 : i32
      %dma_start3A_259 = tpu.memref_slice %arg3[%add3A_257, %dma_start3A_258] : memref<4096x512xi32, #tpu.memory_space<hbm>> -> memref<8x512xi32, #tpu.memory_space<hbm>>
      %dma_start3A_260 = arith.constant 0 : i32
      %dma_start3A_261 = tpu.memref_slice %arg3[%add3A_257, %dma_start3A_260] : memref<4096x512xi32, #tpu.memory_space<hbm>> -> memref<8x512xi32, #tpu.memory_space<hbm>>
      tpu.enqueue_dma source(%dma_start3A_261 : memref<8x512xi32, #tpu.memory_space<hbm>>) target(%arg6 : memref<8x512xi32, #tpu.memory_space<vmem>>) target_semaphore(%arg8 : memref<!tpu.dma_semaphore, #tpu.memory_space<semaphore_mem>>)
      %dma_wait3A = arith.constant 0 : i32
      %dma_wait3A_262 = arith.constant 0 : i32
      %dma_wait3A_263 = tpu.memref_slice %arg5[%dma_wait3A, %dma_wait3A_262] : memref<152x512xf32, #tpu.memory_space<vmem>> -> memref<8x512xf32, #tpu.memory_space<vmem>>
      %dma_wait3A_264 = arith.constant 0 : i32
      %dma_wait3A_265 = tpu.memref_slice %arg2[%add3A_30, %dma_wait3A_264] : memref<77824x512xf32, #tpu.memory_space<hbm>> -> memref<8x512xf32, #tpu.memory_space<hbm>>
      %dma_wait3A_266 = arith.constant 0 : i32
      %dma_wait3A_267 = arith.constant 0 : i32
      %dma_wait3A_268 = tpu.memref_slice %arg5[%dma_wait3A_266, %dma_wait3A_267] : memref<152x512xf32, #tpu.memory_space<vmem>> -> memref<8x512xf32, #tpu.memory_space<vmem>>
      %dma_wait3A_269 = arith.constant 0 : i32
      %dma_wait3A_270 = tpu.memref_slice %arg2[%add3A_30, %dma_wait3A_269] : memref<77824x512xf32, #tpu.memory_space<hbm>> -> memref<8x512xf32, #tpu.memory_space<hbm>>
      tpu.wait_dma2 semaphore(%arg8 : memref<!tpu.dma_semaphore, #tpu.memory_space<semaphore_mem>>) src(%dma_wait3A_270 : memref<8x512xf32, #tpu.memory_space<hbm>>) dst(%dma_wait3A_268 : memref<8x512xf32, #tpu.memory_space<vmem>>)
      %dma_wait3A_271 = arith.constant 8 : i32
      %dma_wait3A_272 = arith.constant 0 : i32
      %dma_wait3A_273 = tpu.memref_slice %arg5[%dma_wait3A_271, %dma_wait3A_272] : memref<152x512xf32, #tpu.memory_space<vmem>> -> memref<8x512xf32, #tpu.memory_space<vmem>>
      %dma_wait3A_274 = arith.constant 0 : i32
      %dma_wait3A_275 = tpu.memref_slice %arg2[%add3A_41, %dma_wait3A_274] : memref<77824x512xf32, #tpu.memory_space<hbm>> -> memref<8x512xf32, #tpu.memory_space<hbm>>
      %dma_wait3A_276 = arith.constant 8 : i32
      %dma_wait3A_277 = arith.constant 0 : i32
      %dma_wait3A_278 = tpu.memref_slice %arg5[%dma_wait3A_276, %dma_wait3A_277] : memref<152x512xf32, #tpu.memory_space<vmem>> -> memref<8x512xf32, #tpu.memory_space<vmem>>
      %dma_wait3A_279 = arith.constant 0 : i32
      %dma_wait3A_280 = tpu.memref_slice %arg2[%add3A_41, %dma_wait3A_279] : memref<77824x512xf32, #tpu.memory_space<hbm>> -> memref<8x512xf32, #tpu.memory_space<hbm>>
      tpu.wait_dma2 semaphore(%arg8 : memref<!tpu.dma_semaphore, #tpu.memory_space<semaphore_mem>>) src(%dma_wait3A_280 : memref<8x512xf32, #tpu.memory_space<hbm>>) dst(%dma_wait3A_278 : memref<8x512xf32, #tpu.memory_space<vmem>>)
      %dma_wait3A_281 = arith.constant 16 : i32
      %dma_wait3A_282 = arith.constant 0 : i32
      %dma_wait3A_283 = tpu.memref_slice %arg5[%dma_wait3A_281, %dma_wait3A_282] : memref<152x512xf32, #tpu.memory_space<vmem>> -> memref<8x512xf32, #tpu.memory_space<vmem>>
      %dma_wait3A_284 = arith.constant 0 : i32
      %dma_wait3A_285 = tpu.memref_slice %arg2[%add3A_53, %dma_wait3A_284] : memref<77824x512xf32, #tpu.memory_space<hbm>> -> memref<8x512xf32, #tpu.memory_space<hbm>>
      %dma_wait3A_286 = arith.constant 16 : i32
      %dma_wait3A_287 = arith.constant 0 : i32
      %dma_wait3A_288 = tpu.memref_slice %arg5[%dma_wait3A_286, %dma_wait3A_287] : memref<152x512xf32, #tpu.memory_space<vmem>> -> memref<8x512xf32, #tpu.memory_space<vmem>>
      %dma_wait3A_289 = arith.constant 0 : i32
      %dma_wait3A_290 = tpu.memref_slice %arg2[%add3A_53, %dma_wait3A_289] : memref<77824x512xf32, #tpu.memory_space<hbm>> -> memref<8x512xf32, #tpu.memory_space<hbm>>
      tpu.wait_dma2 semaphore(%arg8 : memref<!tpu.dma_semaphore, #tpu.memory_space<semaphore_mem>>) src(%dma_wait3A_290 : memref<8x512xf32, #tpu.memory_space<hbm>>) dst(%dma_wait3A_288 : memref<8x512xf32, #tpu.memory_space<vmem>>)
      %dma_wait3A_291 = arith.constant 24 : i32
      %dma_wait3A_292 = arith.constant 0 : i32
      %dma_wait3A_293 = tpu.memref_slice %arg5[%dma_wait3A_291, %dma_wait3A_292] : memref<152x512xf32, #tpu.memory_space<vmem>> -> memref<8x512xf32, #tpu.memory_space<vmem>>
      %dma_wait3A_294 = arith.constant 0 : i32
      %dma_wait3A_295 = tpu.memref_slice %arg2[%add3A_65, %dma_wait3A_294] : memref<77824x512xf32, #tpu.memory_space<hbm>> -> memref<8x512xf32, #tpu.memory_space<hbm>>
      %dma_wait3A_296 = arith.constant 24 : i32
      %dma_wait3A_297 = arith.constant 0 : i32
      %dma_wait3A_298 = tpu.memref_slice %arg5[%dma_wait3A_296, %dma_wait3A_297] : memref<152x512xf32, #tpu.memory_space<vmem>> -> memref<8x512xf32, #tpu.memory_space<vmem>>
      %dma_wait3A_299 = arith.constant 0 : i32
      %dma_wait3A_300 = tpu.memref_slice %arg2[%add3A_65, %dma_wait3A_299] : memref<77824x512xf32, #tpu.memory_space<hbm>> -> memref<8x512xf32, #tpu.memory_space<hbm>>
      tpu.wait_dma2 semaphore(%arg8 : memref<!tpu.dma_semaphore, #tpu.memory_space<semaphore_mem>>) src(%dma_wait3A_300 : memref<8x512xf32, #tpu.memory_space<hbm>>) dst(%dma_wait3A_298 : memref<8x512xf32, #tpu.memory_space<vmem>>)
      %dma_wait3A_301 = arith.constant 32 : i32
      %dma_wait3A_302 = arith.constant 0 : i32
      %dma_wait3A_303 = tpu.memref_slice %arg5[%dma_wait3A_301, %dma_wait3A_302] : memref<152x512xf32, #tpu.memory_space<vmem>> -> memref<8x512xf32, #tpu.memory_space<vmem>>
      %dma_wait3A_304 = arith.constant 0 : i32
      %dma_wait3A_305 = tpu.memref_slice %arg2[%add3A_77, %dma_wait3A_304] : memref<77824x512xf32, #tpu.memory_space<hbm>> -> memref<8x512xf32, #tpu.memory_space<hbm>>
      %dma_wait3A_306 = arith.constant 32 : i32
      %dma_wait3A_307 = arith.constant 0 : i32
      %dma_wait3A_308 = tpu.memref_slice %arg5[%dma_wait3A_306, %dma_wait3A_307] : memref<152x512xf32, #tpu.memory_space<vmem>> -> memref<8x512xf32, #tpu.memory_space<vmem>>
      %dma_wait3A_309 = arith.constant 0 : i32
      %dma_wait3A_310 = tpu.memref_slice %arg2[%add3A_77, %dma_wait3A_309] : memref<77824x512xf32, #tpu.memory_space<hbm>> -> memref<8x512xf32, #tpu.memory_space<hbm>>
      tpu.wait_dma2 semaphore(%arg8 : memref<!tpu.dma_semaphore, #tpu.memory_space<semaphore_mem>>) src(%dma_wait3A_310 : memref<8x512xf32, #tpu.memory_space<hbm>>) dst(%dma_wait3A_308 : memref<8x512xf32, #tpu.memory_space<vmem>>)
      %dma_wait3A_311 = arith.constant 40 : i32
      %dma_wait3A_312 = arith.constant 0 : i32
      %dma_wait3A_313 = tpu.memref_slice %arg5[%dma_wait3A_311, %dma_wait3A_312] : memref<152x512xf32, #tpu.memory_space<vmem>> -> memref<8x512xf32, #tpu.memory_space<vmem>>
      %dma_wait3A_314 = arith.constant 0 : i32
      %dma_wait3A_315 = tpu.memref_slice %arg2[%add3A_89, %dma_wait3A_314] : memref<77824x512xf32, #tpu.memory_space<hbm>> -> memref<8x512xf32, #tpu.memory_space<hbm>>
      %dma_wait3A_316 = arith.constant 40 : i32
      %dma_wait3A_317 = arith.constant 0 : i32
      %dma_wait3A_318 = tpu.memref_slice %arg5[%dma_wait3A_316, %dma_wait3A_317] : memref<152x512xf32, #tpu.memory_space<vmem>> -> memref<8x512xf32, #tpu.memory_space<vmem>>
      %dma_wait3A_319 = arith.constant 0 : i32
      %dma_wait3A_320 = tpu.memref_slice %arg2[%add3A_89, %dma_wait3A_319] : memref<77824x512xf32, #tpu.memory_space<hbm>> -> memref<8x512xf32, #tpu.memory_space<hbm>>
      tpu.wait_dma2 semaphore(%arg8 : memref<!tpu.dma_semaphore, #tpu.memory_space<semaphore_mem>>) src(%dma_wait3A_320 : memref<8x512xf32, #tpu.memory_space<hbm>>) dst(%dma_wait3A_318 : memref<8x512xf32, #tpu.memory_space<vmem>>)
      %dma_wait3A_321 = arith.constant 48 : i32
      %dma_wait3A_322 = arith.constant 0 : i32
      %dma_wait3A_323 = tpu.memref_slice %arg5[%dma_wait3A_321, %dma_wait3A_322] : memref<152x512xf32, #tpu.memory_space<vmem>> -> memref<8x512xf32, #tpu.memory_space<vmem>>
      %dma_wait3A_324 = arith.constant 0 : i32
      %dma_wait3A_325 = tpu.memref_slice %arg2[%add3A_101, %dma_wait3A_324] : memref<77824x512xf32, #tpu.memory_space<hbm>> -> memref<8x512xf32, #tpu.memory_space<hbm>>
      %dma_wait3A_326 = arith.constant 48 : i32
      %dma_wait3A_327 = arith.constant 0 : i32
      %dma_wait3A_328 = tpu.memref_slice %arg5[%dma_wait3A_326, %dma_wait3A_327] : memref<152x512xf32, #tpu.memory_space<vmem>> -> memref<8x512xf32, #tpu.memory_space<vmem>>
      %dma_wait3A_329 = arith.constant 0 : i32
      %dma_wait3A_330 = tpu.memref_slice %arg2[%add3A_101, %dma_wait3A_329] : memref<77824x512xf32, #tpu.memory_space<hbm>> -> memref<8x512xf32, #tpu.memory_space<hbm>>
      tpu.wait_dma2 semaphore(%arg8 : memref<!tpu.dma_semaphore, #tpu.memory_space<semaphore_mem>>) src(%dma_wait3A_330 : memref<8x512xf32, #tpu.memory_space<hbm>>) dst(%dma_wait3A_328 : memref<8x512xf32, #tpu.memory_space<vmem>>)
      %dma_wait3A_331 = arith.constant 56 : i32
      %dma_wait3A_332 = arith.constant 0 : i32
      %dma_wait3A_333 = tpu.memref_slice %arg5[%dma_wait3A_331, %dma_wait3A_332] : memref<152x512xf32, #tpu.memory_space<vmem>> -> memref<8x512xf32, #tpu.memory_space<vmem>>
      %dma_wait3A_334 = arith.constant 0 : i32
      %dma_wait3A_335 = tpu.memref_slice %arg2[%add3A_113, %dma_wait3A_334] : memref<77824x512xf32, #tpu.memory_space<hbm>> -> memref<8x512xf32, #tpu.memory_space<hbm>>
      %dma_wait3A_336 = arith.constant 56 : i32
      %dma_wait3A_337 = arith.constant 0 : i32
      %dma_wait3A_338 = tpu.memref_slice %arg5[%dma_wait3A_336, %dma_wait3A_337] : memref<152x512xf32, #tpu.memory_space<vmem>> -> memref<8x512xf32, #tpu.memory_space<vmem>>
      %dma_wait3A_339 = arith.constant 0 : i32
      %dma_wait3A_340 = tpu.memref_slice %arg2[%add3A_113, %dma_wait3A_339] : memref<77824x512xf32, #tpu.memory_space<hbm>> -> memref<8x512xf32, #tpu.memory_space<hbm>>
      tpu.wait_dma2 semaphore(%arg8 : memref<!tpu.dma_semaphore, #tpu.memory_space<semaphore_mem>>) src(%dma_wait3A_340 : memref<8x512xf32, #tpu.memory_space<hbm>>) dst(%dma_wait3A_338 : memref<8x512xf32, #tpu.memory_space<vmem>>)
      %dma_wait3A_341 = arith.constant 64 : i32
      %dma_wait3A_342 = arith.constant 0 : i32
      %dma_wait3A_343 = tpu.memref_slice %arg5[%dma_wait3A_341, %dma_wait3A_342] : memref<152x512xf32, #tpu.memory_space<vmem>> -> memref<8x512xf32, #tpu.memory_space<vmem>>
      %dma_wait3A_344 = arith.constant 0 : i32
      %dma_wait3A_345 = tpu.memref_slice %arg2[%add3A_125, %dma_wait3A_344] : memref<77824x512xf32, #tpu.memory_space<hbm>> -> memref<8x512xf32, #tpu.memory_space<hbm>>
      %dma_wait3A_346 = arith.constant 64 : i32
      %dma_wait3A_347 = arith.constant 0 : i32
      %dma_wait3A_348 = tpu.memref_slice %arg5[%dma_wait3A_346, %dma_wait3A_347] : memref<152x512xf32, #tpu.memory_space<vmem>> -> memref<8x512xf32, #tpu.memory_space<vmem>>
      %dma_wait3A_349 = arith.constant 0 : i32
      %dma_wait3A_350 = tpu.memref_slice %arg2[%add3A_125, %dma_wait3A_349] : memref<77824x512xf32, #tpu.memory_space<hbm>> -> memref<8x512xf32, #tpu.memory_space<hbm>>
      tpu.wait_dma2 semaphore(%arg8 : memref<!tpu.dma_semaphore, #tpu.memory_space<semaphore_mem>>) src(%dma_wait3A_350 : memref<8x512xf32, #tpu.memory_space<hbm>>) dst(%dma_wait3A_348 : memref<8x512xf32, #tpu.memory_space<vmem>>)
      %dma_wait3A_351 = arith.constant 72 : i32
      %dma_wait3A_352 = arith.constant 0 : i32
      %dma_wait3A_353 = tpu.memref_slice %arg5[%dma_wait3A_351, %dma_wait3A_352] : memref<152x512xf32, #tpu.memory_space<vmem>> -> memref<8x512xf32, #tpu.memory_space<vmem>>
      %dma_wait3A_354 = arith.constant 0 : i32
      %dma_wait3A_355 = tpu.memref_slice %arg2[%add3A_137, %dma_wait3A_354] : memref<77824x512xf32, #tpu.memory_space<hbm>> -> memref<8x512xf32, #tpu.memory_space<hbm>>
      %dma_wait3A_356 = arith.constant 72 : i32
      %dma_wait3A_357 = arith.constant 0 : i32
      %dma_wait3A_358 = tpu.memref_slice %arg5[%dma_wait3A_356, %dma_wait3A_357] : memref<152x512xf32, #tpu.memory_space<vmem>> -> memref<8x512xf32, #tpu.memory_space<vmem>>
      %dma_wait3A_359 = arith.constant 0 : i32
      %dma_wait3A_360 = tpu.memref_slice %arg2[%add3A_137, %dma_wait3A_359] : memref<77824x512xf32, #tpu.memory_space<hbm>> -> memref<8x512xf32, #tpu.memory_space<hbm>>
      tpu.wait_dma2 semaphore(%arg8 : memref<!tpu.dma_semaphore, #tpu.memory_space<semaphore_mem>>) src(%dma_wait3A_360 : memref<8x512xf32, #tpu.memory_space<hbm>>) dst(%dma_wait3A_358 : memref<8x512xf32, #tpu.memory_space<vmem>>)
      %dma_wait3A_361 = arith.constant 80 : i32
      %dma_wait3A_362 = arith.constant 0 : i32
      %dma_wait3A_363 = tpu.memref_slice %arg5[%dma_wait3A_361, %dma_wait3A_362] : memref<152x512xf32, #tpu.memory_space<vmem>> -> memref<8x512xf32, #tpu.memory_space<vmem>>
      %dma_wait3A_364 = arith.constant 0 : i32
      %dma_wait3A_365 = tpu.memref_slice %arg2[%add3A_149, %dma_wait3A_364] : memref<77824x512xf32, #tpu.memory_space<hbm>> -> memref<8x512xf32, #tpu.memory_space<hbm>>
      %dma_wait3A_366 = arith.constant 80 : i32
      %dma_wait3A_367 = arith.constant 0 : i32
      %dma_wait3A_368 = tpu.memref_slice %arg5[%dma_wait3A_366, %dma_wait3A_367] : memref<152x512xf32, #tpu.memory_space<vmem>> -> memref<8x512xf32, #tpu.memory_space<vmem>>
      %dma_wait3A_369 = arith.constant 0 : i32
      %dma_wait3A_370 = tpu.memref_slice %arg2[%add3A_149, %dma_wait3A_369] : memref<77824x512xf32, #tpu.memory_space<hbm>> -> memref<8x512xf32, #tpu.memory_space<hbm>>
      tpu.wait_dma2 semaphore(%arg8 : memref<!tpu.dma_semaphore, #tpu.memory_space<semaphore_mem>>) src(%dma_wait3A_370 : memref<8x512xf32, #tpu.memory_space<hbm>>) dst(%dma_wait3A_368 : memref<8x512xf32, #tpu.memory_space<vmem>>)
      %dma_wait3A_371 = arith.constant 88 : i32
      %dma_wait3A_372 = arith.constant 0 : i32
      %dma_wait3A_373 = tpu.memref_slice %arg5[%dma_wait3A_371, %dma_wait3A_372] : memref<152x512xf32, #tpu.memory_space<vmem>> -> memref<8x512xf32, #tpu.memory_space<vmem>>
      %dma_wait3A_374 = arith.constant 0 : i32
      %dma_wait3A_375 = tpu.memref_slice %arg2[%add3A_161, %dma_wait3A_374] : memref<77824x512xf32, #tpu.memory_space<hbm>> -> memref<8x512xf32, #tpu.memory_space<hbm>>
      %dma_wait3A_376 = arith.constant 88 : i32
      %dma_wait3A_377 = arith.constant 0 : i32
      %dma_wait3A_378 = tpu.memref_slice %arg5[%dma_wait3A_376, %dma_wait3A_377] : memref<152x512xf32, #tpu.memory_space<vmem>> -> memref<8x512xf32, #tpu.memory_space<vmem>>
      %dma_wait3A_379 = arith.constant 0 : i32
      %dma_wait3A_380 = tpu.memref_slice %arg2[%add3A_161, %dma_wait3A_379] : memref<77824x512xf32, #tpu.memory_space<hbm>> -> memref<8x512xf32, #tpu.memory_space<hbm>>
      tpu.wait_dma2 semaphore(%arg8 : memref<!tpu.dma_semaphore, #tpu.memory_space<semaphore_mem>>) src(%dma_wait3A_380 : memref<8x512xf32, #tpu.memory_space<hbm>>) dst(%dma_wait3A_378 : memref<8x512xf32, #tpu.memory_space<vmem>>)
      %dma_wait3A_381 = arith.constant 96 : i32
      %dma_wait3A_382 = arith.constant 0 : i32
      %dma_wait3A_383 = tpu.memref_slice %arg5[%dma_wait3A_381, %dma_wait3A_382] : memref<152x512xf32, #tpu.memory_space<vmem>> -> memref<8x512xf32, #tpu.memory_space<vmem>>
      %dma_wait3A_384 = arith.constant 0 : i32
      %dma_wait3A_385 = tpu.memref_slice %arg2[%add3A_173, %dma_wait3A_384] : memref<77824x512xf32, #tpu.memory_space<hbm>> -> memref<8x512xf32, #tpu.memory_space<hbm>>
      %dma_wait3A_386 = arith.constant 96 : i32
      %dma_wait3A_387 = arith.constant 0 : i32
      %dma_wait3A_388 = tpu.memref_slice %arg5[%dma_wait3A_386, %dma_wait3A_387] : memref<152x512xf32, #tpu.memory_space<vmem>> -> memref<8x512xf32, #tpu.memory_space<vmem>>
      %dma_wait3A_389 = arith.constant 0 : i32
      %dma_wait3A_390 = tpu.memref_slice %arg2[%add3A_173, %dma_wait3A_389] : memref<77824x512xf32, #tpu.memory_space<hbm>> -> memref<8x512xf32, #tpu.memory_space<hbm>>
      tpu.wait_dma2 semaphore(%arg8 : memref<!tpu.dma_semaphore, #tpu.memory_space<semaphore_mem>>) src(%dma_wait3A_390 : memref<8x512xf32, #tpu.memory_space<hbm>>) dst(%dma_wait3A_388 : memref<8x512xf32, #tpu.memory_space<vmem>>)
      %dma_wait3A_391 = arith.constant 104 : i32
      %dma_wait3A_392 = arith.constant 0 : i32
      %dma_wait3A_393 = tpu.memref_slice %arg5[%dma_wait3A_391, %dma_wait3A_392] : memref<152x512xf32, #tpu.memory_space<vmem>> -> memref<8x512xf32, #tpu.memory_space<vmem>>
      %dma_wait3A_394 = arith.constant 0 : i32
      %dma_wait3A_395 = tpu.memref_slice %arg2[%add3A_185, %dma_wait3A_394] : memref<77824x512xf32, #tpu.memory_space<hbm>> -> memref<8x512xf32, #tpu.memory_space<hbm>>
      %dma_wait3A_396 = arith.constant 104 : i32
      %dma_wait3A_397 = arith.constant 0 : i32
      %dma_wait3A_398 = tpu.memref_slice %arg5[%dma_wait3A_396, %dma_wait3A_397] : memref<152x512xf32, #tpu.memory_space<vmem>> -> memref<8x512xf32, #tpu.memory_space<vmem>>
      %dma_wait3A_399 = arith.constant 0 : i32
      %dma_wait3A_400 = tpu.memref_slice %arg2[%add3A_185, %dma_wait3A_399] : memref<77824x512xf32, #tpu.memory_space<hbm>> -> memref<8x512xf32, #tpu.memory_space<hbm>>
      tpu.wait_dma2 semaphore(%arg8 : memref<!tpu.dma_semaphore, #tpu.memory_space<semaphore_mem>>) src(%dma_wait3A_400 : memref<8x512xf32, #tpu.memory_space<hbm>>) dst(%dma_wait3A_398 : memref<8x512xf32, #tpu.memory_space<vmem>>)
      %dma_wait3A_401 = arith.constant 112 : i32
      %dma_wait3A_402 = arith.constant 0 : i32
      %dma_wait3A_403 = tpu.memref_slice %arg5[%dma_wait3A_401, %dma_wait3A_402] : memref<152x512xf32, #tpu.memory_space<vmem>> -> memref<8x512xf32, #tpu.memory_space<vmem>>
      %dma_wait3A_404 = arith.constant 0 : i32
      %dma_wait3A_405 = tpu.memref_slice %arg2[%add3A_197, %dma_wait3A_404] : memref<77824x512xf32, #tpu.memory_space<hbm>> -> memref<8x512xf32, #tpu.memory_space<hbm>>
      %dma_wait3A_406 = arith.constant 112 : i32
      %dma_wait3A_407 = arith.constant 0 : i32
      %dma_wait3A_408 = tpu.memref_slice %arg5[%dma_wait3A_406, %dma_wait3A_407] : memref<152x512xf32, #tpu.memory_space<vmem>> -> memref<8x512xf32, #tpu.memory_space<vmem>>
      %dma_wait3A_409 = arith.constant 0 : i32
      %dma_wait3A_410 = tpu.memref_slice %arg2[%add3A_197, %dma_wait3A_409] : memref<77824x512xf32, #tpu.memory_space<hbm>> -> memref<8x512xf32, #tpu.memory_space<hbm>>
      tpu.wait_dma2 semaphore(%arg8 : memref<!tpu.dma_semaphore, #tpu.memory_space<semaphore_mem>>) src(%dma_wait3A_410 : memref<8x512xf32, #tpu.memory_space<hbm>>) dst(%dma_wait3A_408 : memref<8x512xf32, #tpu.memory_space<vmem>>)
      %dma_wait3A_411 = arith.constant 120 : i32
      %dma_wait3A_412 = arith.constant 0 : i32
      %dma_wait3A_413 = tpu.memref_slice %arg5[%dma_wait3A_411, %dma_wait3A_412] : memref<152x512xf32, #tpu.memory_space<vmem>> -> memref<8x512xf32, #tpu.memory_space<vmem>>
      %dma_wait3A_414 = arith.constant 0 : i32
      %dma_wait3A_415 = tpu.memref_slice %arg2[%add3A_209, %dma_wait3A_414] : memref<77824x512xf32, #tpu.memory_space<hbm>> -> memref<8x512xf32, #tpu.memory_space<hbm>>
      %dma_wait3A_416 = arith.constant 120 : i32
      %dma_wait3A_417 = arith.constant 0 : i32
      %dma_wait3A_418 = tpu.memref_slice %arg5[%dma_wait3A_416, %dma_wait3A_417] : memref<152x512xf32, #tpu.memory_space<vmem>> -> memref<8x512xf32, #tpu.memory_space<vmem>>
      %dma_wait3A_419 = arith.constant 0 : i32
      %dma_wait3A_420 = tpu.memref_slice %arg2[%add3A_209, %dma_wait3A_419] : memref<77824x512xf32, #tpu.memory_space<hbm>> -> memref<8x512xf32, #tpu.memory_space<hbm>>
      tpu.wait_dma2 semaphore(%arg8 : memref<!tpu.dma_semaphore, #tpu.memory_space<semaphore_mem>>) src(%dma_wait3A_420 : memref<8x512xf32, #tpu.memory_space<hbm>>) dst(%dma_wait3A_418 : memref<8x512xf32, #tpu.memory_space<vmem>>)
      %dma_wait3A_421 = arith.constant 128 : i32
      %dma_wait3A_422 = arith.constant 0 : i32
      %dma_wait3A_423 = tpu.memref_slice %arg5[%dma_wait3A_421, %dma_wait3A_422] : memref<152x512xf32, #tpu.memory_space<vmem>> -> memref<8x512xf32, #tpu.memory_space<vmem>>
      %dma_wait3A_424 = arith.constant 0 : i32
      %dma_wait3A_425 = tpu.memref_slice %arg2[%add3A_221, %dma_wait3A_424] : memref<77824x512xf32, #tpu.memory_space<hbm>> -> memref<8x512xf32, #tpu.memory_space<hbm>>
      %dma_wait3A_426 = arith.constant 128 : i32
      %dma_wait3A_427 = arith.constant 0 : i32
      %dma_wait3A_428 = tpu.memref_slice %arg5[%dma_wait3A_426, %dma_wait3A_427] : memref<152x512xf32, #tpu.memory_space<vmem>> -> memref<8x512xf32, #tpu.memory_space<vmem>>
      %dma_wait3A_429 = arith.constant 0 : i32
      %dma_wait3A_430 = tpu.memref_slice %arg2[%add3A_221, %dma_wait3A_429] : memref<77824x512xf32, #tpu.memory_space<hbm>> -> memref<8x512xf32, #tpu.memory_space<hbm>>
      tpu.wait_dma2 semaphore(%arg8 : memref<!tpu.dma_semaphore, #tpu.memory_space<semaphore_mem>>) src(%dma_wait3A_430 : memref<8x512xf32, #tpu.memory_space<hbm>>) dst(%dma_wait3A_428 : memref<8x512xf32, #tpu.memory_space<vmem>>)
      %dma_wait3A_431 = arith.constant 136 : i32
      %dma_wait3A_432 = arith.constant 0 : i32
      %dma_wait3A_433 = tpu.memref_slice %arg5[%dma_wait3A_431, %dma_wait3A_432] : memref<152x512xf32, #tpu.memory_space<vmem>> -> memref<8x512xf32, #tpu.memory_space<vmem>>
      %dma_wait3A_434 = arith.constant 0 : i32
      %dma_wait3A_435 = tpu.memref_slice %arg2[%add3A_233, %dma_wait3A_434] : memref<77824x512xf32, #tpu.memory_space<hbm>> -> memref<8x512xf32, #tpu.memory_space<hbm>>
      %dma_wait3A_436 = arith.constant 136 : i32
      %dma_wait3A_437 = arith.constant 0 : i32
      %dma_wait3A_438 = tpu.memref_slice %arg5[%dma_wait3A_436, %dma_wait3A_437] : memref<152x512xf32, #tpu.memory_space<vmem>> -> memref<8x512xf32, #tpu.memory_space<vmem>>
      %dma_wait3A_439 = arith.constant 0 : i32
      %dma_wait3A_440 = tpu.memref_slice %arg2[%add3A_233, %dma_wait3A_439] : memref<77824x512xf32, #tpu.memory_space<hbm>> -> memref<8x512xf32, #tpu.memory_space<hbm>>
      tpu.wait_dma2 semaphore(%arg8 : memref<!tpu.dma_semaphore, #tpu.memory_space<semaphore_mem>>) src(%dma_wait3A_440 : memref<8x512xf32, #tpu.memory_space<hbm>>) dst(%dma_wait3A_438 : memref<8x512xf32, #tpu.memory_space<vmem>>)
      %dma_wait3A_441 = arith.constant 144 : i32
      %dma_wait3A_442 = arith.constant 0 : i32
      %dma_wait3A_443 = tpu.memref_slice %arg5[%dma_wait3A_441, %dma_wait3A_442] : memref<152x512xf32, #tpu.memory_space<vmem>> -> memref<8x512xf32, #tpu.memory_space<vmem>>
      %dma_wait3A_444 = arith.constant 0 : i32
      %dma_wait3A_445 = tpu.memref_slice %arg2[%add3A_245, %dma_wait3A_444] : memref<77824x512xf32, #tpu.memory_space<hbm>> -> memref<8x512xf32, #tpu.memory_space<hbm>>
      %dma_wait3A_446 = arith.constant 144 : i32
      %dma_wait3A_447 = arith.constant 0 : i32
      %dma_wait3A_448 = tpu.memref_slice %arg5[%dma_wait3A_446, %dma_wait3A_447] : memref<152x512xf32, #tpu.memory_space<vmem>> -> memref<8x512xf32, #tpu.memory_space<vmem>>
      %dma_wait3A_449 = arith.constant 0 : i32
      %dma_wait3A_450 = tpu.memref_slice %arg2[%add3A_245, %dma_wait3A_449] : memref<77824x512xf32, #tpu.memory_space<hbm>> -> memref<8x512xf32, #tpu.memory_space<hbm>>
      tpu.wait_dma2 semaphore(%arg8 : memref<!tpu.dma_semaphore, #tpu.memory_space<semaphore_mem>>) src(%dma_wait3A_450 : memref<8x512xf32, #tpu.memory_space<hbm>>) dst(%dma_wait3A_448 : memref<8x512xf32, #tpu.memory_space<vmem>>)
      %dma_wait3A_451 = arith.constant 0 : i32
      %dma_wait3A_452 = tpu.memref_slice %arg3[%add3A_257, %dma_wait3A_451] : memref<4096x512xi32, #tpu.memory_space<hbm>> -> memref<8x512xi32, #tpu.memory_space<hbm>>
      %dma_wait3A_453 = arith.constant 0 : i32
      %dma_wait3A_454 = tpu.memref_slice %arg3[%add3A_257, %dma_wait3A_453] : memref<4096x512xi32, #tpu.memory_space<hbm>> -> memref<8x512xi32, #tpu.memory_space<hbm>>
      tpu.wait_dma2 semaphore(%arg8 : memref<!tpu.dma_semaphore, #tpu.memory_space<semaphore_mem>>) src(%dma_wait3A_454 : memref<8x512xi32, #tpu.memory_space<hbm>>) dst(%arg6 : memref<8x512xi32, #tpu.memory_space<vmem>>)
      %scan3A_455 = arith.constant 0 : i32
      %scan3A_456 = arith.constant 8 : i32
      %scan3A_457 = arith.addi %scan3A_455, %scan3A_456 : i32
      %scan3A_458 = arith.constant 1 : i32
      %scan3A_459:3 = scf.for %scan3A_461 = %scan3A_455 to %scan3A_457 step %scan3A_458 iter_args(%scan3A_462 = %scan3A_21, %scan3A_463 = %scan3A_22, %scan3A_464 = %scan3A_23) -> (vector<16xf32>, vector<16xf32>, vector<16xf32>)  : i32 {
        %scan3A_465 = arith.constant 0 : i32
        %scan3A_466 = arith.constant 32 : i32
        %scan3A_467 = arith.addi %scan3A_465, %scan3A_466 : i32
        %scan3A_468 = arith.constant 1 : i32
        %scan3A_469:3 = scf.for %scan3A_471 = %scan3A_465 to %scan3A_467 step %scan3A_468 iter_args(%scan3A_472 = %scan3A_462, %scan3A_473 = %scan3A_463, %scan3A_474 = %scan3A_464) -> (vector<16xf32>, vector<16xf32>, vector<16xf32>)  : i32 {
          %mul3A_475 = arith.constant 16 : i32
          %mul3A_476 = arith.muli %scan3A_471, %mul3A_475 : i32
          %get3A = arith.index_cast %scan3A_461 : i32 to index
          %get3A_477 = arith.index_cast %mul3A_476 : i32 to index
          %get3A_478 = tpu.vector_load %arg6[%get3A, %get3A_477] {strides = array<i32>} : memref<8x512xi32, #tpu.memory_space<vmem>>, vector<1x16xi32>,
          %get3A_479 = vector.shape_cast %get3A_478 : vector<1x16xi32> to vector<16xi32>
          %ge3A = arith.constant 0 : i32
          %ge3A_480 = vector.broadcast %ge3A : i32 to vector<16xi32>
          %ge3A_481 = arith.cmpi sge, %get3A_479, %ge3A_480 : vector<16xi32>
          %lt3A = arith.constant 19 : i32
          %lt3A_482 = vector.broadcast %lt3A : i32 to vector<16xi32>
          %lt3A_483 = arith.cmpi slt, %get3A_479, %lt3A_482 : vector<16xi32>
          %and3A = arith.andi %ge3A_481, %lt3A_483 : vector<16xi1>
          %jit3A = arith.constant 1.000000e+00 : f32
          %jit3A_484 = arith.constant 0.000000e+00 : f32
          %broadcast_in_dim3A_485 = vector.broadcast %jit3A : f32 to vector<16xf32>
          %broadcast_in_dim3A_486 = vector.broadcast %jit3A_484 : f32 to vector<16xf32>
          %select_n3A = arith.select %and3A, %broadcast_in_dim3A_485, %broadcast_in_dim3A_486 : vector<16xi1>, vector<16xf32>
          %add3A_487 = arith.addf %scan3A_474, %select_n3A : vector<16xf32>
          %add3A_488 = arith.constant 0 : i32
          %add3A_489 = arith.addi %add3A_488, %scan3A_461 : i32
          %mul3A_490 = arith.constant 16 : i32
          %mul3A_491 = arith.muli %scan3A_471, %mul3A_490 : i32
          %get3A_492 = arith.index_cast %add3A_489 : i32 to index
          %get3A_493 = arith.index_cast %mul3A_491 : i32 to index
          %get3A_494 = tpu.vector_load %arg5[%get3A_492, %get3A_493] {strides = array<i32>} : memref<152x512xf32, #tpu.memory_space<vmem>>, vector<1x16xf32>,
          %get3A_495 = vector.shape_cast %get3A_494 : vector<1x16xf32> to vector<16xf32>
          %add3A_496 = arith.addf %scan3A_472, %get3A_495 : vector<16xf32>
          %eq3A = arith.constant 0 : i32
          %eq3A_497 = vector.broadcast %eq3A : i32 to vector<16xi32>
          %eq3A_498 = arith.cmpi eq, %get3A_479, %eq3A_497 : vector<16xi32>
          %jit3A_499 = arith.constant 0.000000e+00 : f32
          %broadcast_in_dim3A_500 = vector.broadcast %jit3A_499 : f32 to vector<16xf32>
          %select_n3A_501 = arith.select %eq3A_498, %get3A_495, %broadcast_in_dim3A_500 : vector<16xi1>, vector<16xf32>
          %add3A_502 = arith.addf %scan3A_473, %select_n3A_501 : vector<16xf32>
          %add3A_503 = arith.constant 8 : i32
          %add3A_504 = arith.addi %add3A_503, %scan3A_461 : i32
          %mul3A_505 = arith.constant 16 : i32
          %mul3A_506 = arith.muli %scan3A_471, %mul3A_505 : i32
          %get3A_507 = arith.index_cast %add3A_504 : i32 to index
          %get3A_508 = arith.index_cast %mul3A_506 : i32 to index
          %get3A_509 = tpu.vector_load %arg5[%get3A_507, %get3A_508] {strides = array<i32>} : memref<152x512xf32, #tpu.memory_space<vmem>>, vector<1x16xf32>,
          %get3A_510 = vector.shape_cast %get3A_509 : vector<1x16xf32> to vector<16xf32>
          %add3A_511 = arith.addf %add3A_496, %get3A_510 : vector<16xf32>
          %eq3A_512 = arith.constant 1 : i32
          %eq3A_513 = vector.broadcast %eq3A_512 : i32 to vector<16xi32>
          %eq3A_514 = arith.cmpi eq, %get3A_479, %eq3A_513 : vector<16xi32>
          %jit3A_515 = arith.constant 0.000000e+00 : f32
          %broadcast_in_dim3A_516 = vector.broadcast %jit3A_515 : f32 to vector<16xf32>
          %select_n3A_517 = arith.select %eq3A_514, %get3A_510, %broadcast_in_dim3A_516 : vector<16xi1>, vector<16xf32>
          %add3A_518 = arith.addf %add3A_502, %select_n3A_517 : vector<16xf32>
          %add3A_519 = arith.constant 16 : i32
          %add3A_520 = arith.addi %add3A_519, %scan3A_461 : i32
          %mul3A_521 = arith.constant 16 : i32
          %mul3A_522 = arith.muli %scan3A_471, %mul3A_521 : i32
          %get3A_523 = arith.index_cast %add3A_520 : i32 to index
          %get3A_524 = arith.index_cast %mul3A_522 : i32 to index
          %get3A_525 = tpu.vector_load %arg5[%get3A_523, %get3A_524] {strides = array<i32>} : memref<152x512xf32, #tpu.memory_space<vmem>>, vector<1x16xf32>,
          %get3A_526 = vector.shape_cast %get3A_525 : vector<1x16xf32> to vector<16xf32>
          %add3A_527 = arith.addf %add3A_511, %get3A_526 : vector<16xf32>
          %eq3A_528 = arith.constant 2 : i32
          %eq3A_529 = vector.broadcast %eq3A_528 : i32 to vector<16xi32>
          %eq3A_530 = arith.cmpi eq, %get3A_479, %eq3A_529 : vector<16xi32>
          %jit3A_531 = arith.constant 0.000000e+00 : f32
          %broadcast_in_dim3A_532 = vector.broadcast %jit3A_531 : f32 to vector<16xf32>
          %select_n3A_533 = arith.select %eq3A_530, %get3A_526, %broadcast_in_dim3A_532 : vector<16xi1>, vector<16xf32>
          %add3A_534 = arith.addf %add3A_518, %select_n3A_533 : vector<16xf32>
          %add3A_535 = arith.constant 24 : i32
          %add3A_536 = arith.addi %add3A_535, %scan3A_461 : i32
          %mul3A_537 = arith.constant 16 : i32
          %mul3A_538 = arith.muli %scan3A_471, %mul3A_537 : i32
          %get3A_539 = arith.index_cast %add3A_536 : i32 to index
          %get3A_540 = arith.index_cast %mul3A_538 : i32 to index
          %get3A_541 = tpu.vector_load %arg5[%get3A_539, %get3A_540] {strides = array<i32>} : memref<152x512xf32, #tpu.memory_space<vmem>>, vector<1x16xf32>,
          %get3A_542 = vector.shape_cast %get3A_541 : vector<1x16xf32> to vector<16xf32>
          %add3A_543 = arith.addf %add3A_527, %get3A_542 : vector<16xf32>
          %eq3A_544 = arith.constant 3 : i32
          %eq3A_545 = vector.broadcast %eq3A_544 : i32 to vector<16xi32>
          %eq3A_546 = arith.cmpi eq, %get3A_479, %eq3A_545 : vector<16xi32>
          %jit3A_547 = arith.constant 0.000000e+00 : f32
          %broadcast_in_dim3A_548 = vector.broadcast %jit3A_547 : f32 to vector<16xf32>
          %select_n3A_549 = arith.select %eq3A_546, %get3A_542, %broadcast_in_dim3A_548 : vector<16xi1>, vector<16xf32>
          %add3A_550 = arith.addf %add3A_534, %select_n3A_549 : vector<16xf32>
          %add3A_551 = arith.constant 32 : i32
          %add3A_552 = arith.addi %add3A_551, %scan3A_461 : i32
          %mul3A_553 = arith.constant 16 : i32
          %mul3A_554 = arith.muli %scan3A_471, %mul3A_553 : i32
          %get3A_555 = arith.index_cast %add3A_552 : i32 to index
          %get3A_556 = arith.index_cast %mul3A_554 : i32 to index
          %get3A_557 = tpu.vector_load %arg5[%get3A_555, %get3A_556] {strides = array<i32>} : memref<152x512xf32, #tpu.memory_space<vmem>>, vector<1x16xf32>,
          %get3A_558 = vector.shape_cast %get3A_557 : vector<1x16xf32> to vector<16xf32>
          %add3A_559 = arith.addf %add3A_543, %get3A_558 : vector<16xf32>
          %eq3A_560 = arith.constant 4 : i32
          %eq3A_561 = vector.broadcast %eq3A_560 : i32 to vector<16xi32>
          %eq3A_562 = arith.cmpi eq, %get3A_479, %eq3A_561 : vector<16xi32>
          %jit3A_563 = arith.constant 0.000000e+00 : f32
          %broadcast_in_dim3A_564 = vector.broadcast %jit3A_563 : f32 to vector<16xf32>
          %select_n3A_565 = arith.select %eq3A_562, %get3A_558, %broadcast_in_dim3A_564 : vector<16xi1>, vector<16xf32>
          %add3A_566 = arith.addf %add3A_550, %select_n3A_565 : vector<16xf32>
          %add3A_567 = arith.constant 40 : i32
          %add3A_568 = arith.addi %add3A_567, %scan3A_461 : i32
          %mul3A_569 = arith.constant 16 : i32
          %mul3A_570 = arith.muli %scan3A_471, %mul3A_569 : i32
          %get3A_571 = arith.index_cast %add3A_568 : i32 to index
          %get3A_572 = arith.index_cast %mul3A_570 : i32 to index
          %get3A_573 = tpu.vector_load %arg5[%get3A_571, %get3A_572] {strides = array<i32>} : memref<152x512xf32, #tpu.memory_space<vmem>>, vector<1x16xf32>,
          %get3A_574 = vector.shape_cast %get3A_573 : vector<1x16xf32> to vector<16xf32>
          %add3A_575 = arith.addf %add3A_559, %get3A_574 : vector<16xf32>
          %eq3A_576 = arith.constant 5 : i32
          %eq3A_577 = vector.broadcast %eq3A_576 : i32 to vector<16xi32>
          %eq3A_578 = arith.cmpi eq, %get3A_479, %eq3A_577 : vector<16xi32>
          %jit3A_579 = arith.constant 0.000000e+00 : f32
          %broadcast_in_dim3A_580 = vector.broadcast %jit3A_579 : f32 to vector<16xf32>
          %select_n3A_581 = arith.select %eq3A_578, %get3A_574, %broadcast_in_dim3A_580 : vector<16xi1>, vector<16xf32>
          %add3A_582 = arith.addf %add3A_566, %select_n3A_581 : vector<16xf32>
          %add3A_583 = arith.constant 48 : i32
          %add3A_584 = arith.addi %add3A_583, %scan3A_461 : i32
          %mul3A_585 = arith.constant 16 : i32
          %mul3A_586 = arith.muli %scan3A_471, %mul3A_585 : i32
          %get3A_587 = arith.index_cast %add3A_584 : i32 to index
          %get3A_588 = arith.index_cast %mul3A_586 : i32 to index
          %get3A_589 = tpu.vector_load %arg5[%get3A_587, %get3A_588] {strides = array<i32>} : memref<152x512xf32, #tpu.memory_space<vmem>>, vector<1x16xf32>,
          %get3A_590 = vector.shape_cast %get3A_589 : vector<1x16xf32> to vector<16xf32>
          %add3A_591 = arith.addf %add3A_575, %get3A_590 : vector<16xf32>
          %eq3A_592 = arith.constant 6 : i32
          %eq3A_593 = vector.broadcast %eq3A_592 : i32 to vector<16xi32>
          %eq3A_594 = arith.cmpi eq, %get3A_479, %eq3A_593 : vector<16xi32>
          %jit3A_595 = arith.constant 0.000000e+00 : f32
          %broadcast_in_dim3A_596 = vector.broadcast %jit3A_595 : f32 to vector<16xf32>
          %select_n3A_597 = arith.select %eq3A_594, %get3A_590, %broadcast_in_dim3A_596 : vector<16xi1>, vector<16xf32>
          %add3A_598 = arith.addf %add3A_582, %select_n3A_597 : vector<16xf32>
          %add3A_599 = arith.constant 56 : i32
          %add3A_600 = arith.addi %add3A_599, %scan3A_461 : i32
          %mul3A_601 = arith.constant 16 : i32
          %mul3A_602 = arith.muli %scan3A_471, %mul3A_601 : i32
          %get3A_603 = arith.index_cast %add3A_600 : i32 to index
          %get3A_604 = arith.index_cast %mul3A_602 : i32 to index
          %get3A_605 = tpu.vector_load %arg5[%get3A_603, %get3A_604] {strides = array<i32>} : memref<152x512xf32, #tpu.memory_space<vmem>>, vector<1x16xf32>,
          %get3A_606 = vector.shape_cast %get3A_605 : vector<1x16xf32> to vector<16xf32>
          %add3A_607 = arith.addf %add3A_591, %get3A_606 : vector<16xf32>
          %eq3A_608 = arith.constant 7 : i32
          %eq3A_609 = vector.broadcast %eq3A_608 : i32 to vector<16xi32>
          %eq3A_610 = arith.cmpi eq, %get3A_479, %eq3A_609 : vector<16xi32>
          %jit3A_611 = arith.constant 0.000000e+00 : f32
          %broadcast_in_dim3A_612 = vector.broadcast %jit3A_611 : f32 to vector<16xf32>
          %select_n3A_613 = arith.select %eq3A_610, %get3A_606, %broadcast_in_dim3A_612 : vector<16xi1>, vector<16xf32>
          %add3A_614 = arith.addf %add3A_598, %select_n3A_613 : vector<16xf32>
          %add3A_615 = arith.constant 64 : i32
          %add3A_616 = arith.addi %add3A_615, %scan3A_461 : i32
          %mul3A_617 = arith.constant 16 : i32
          %mul3A_618 = arith.muli %scan3A_471, %mul3A_617 : i32
          %get3A_619 = arith.index_cast %add3A_616 : i32 to index
          %get3A_620 = arith.index_cast %mul3A_618 : i32 to index
          %get3A_621 = tpu.vector_load %arg5[%get3A_619, %get3A_620] {strides = array<i32>} : memref<152x512xf32, #tpu.memory_space<vmem>>, vector<1x16xf32>,
          %get3A_622 = vector.shape_cast %get3A_621 : vector<1x16xf32> to vector<16xf32>
          %add3A_623 = arith.addf %add3A_607, %get3A_622 : vector<16xf32>
          %eq3A_624 = arith.constant 8 : i32
          %eq3A_625 = vector.broadcast %eq3A_624 : i32 to vector<16xi32>
          %eq3A_626 = arith.cmpi eq, %get3A_479, %eq3A_625 : vector<16xi32>
          %jit3A_627 = arith.constant 0.000000e+00 : f32
          %broadcast_in_dim3A_628 = vector.broadcast %jit3A_627 : f32 to vector<16xf32>
          %select_n3A_629 = arith.select %eq3A_626, %get3A_622, %broadcast_in_dim3A_628 : vector<16xi1>, vector<16xf32>
          %add3A_630 = arith.addf %add3A_614, %select_n3A_629 : vector<16xf32>
          %add3A_631 = arith.constant 72 : i32
          %add3A_632 = arith.addi %add3A_631, %scan3A_461 : i32
          %mul3A_633 = arith.constant 16 : i32
          %mul3A_634 = arith.muli %scan3A_471, %mul3A_633 : i32
          %get3A_635 = arith.index_cast %add3A_632 : i32 to index
          %get3A_636 = arith.index_cast %mul3A_634 : i32 to index
          %get3A_637 = tpu.vector_load %arg5[%get3A_635, %get3A_636] {strides = array<i32>} : memref<152x512xf32, #tpu.memory_space<vmem>>, vector<1x16xf32>,
          %get3A_638 = vector.shape_cast %get3A_637 : vector<1x16xf32> to vector<16xf32>
          %add3A_639 = arith.addf %add3A_623, %get3A_638 : vector<16xf32>
          %eq3A_640 = arith.constant 9 : i32
          %eq3A_641 = vector.broadcast %eq3A_640 : i32 to vector<16xi32>
          %eq3A_642 = arith.cmpi eq, %get3A_479, %eq3A_641 : vector<16xi32>
          %jit3A_643 = arith.constant 0.000000e+00 : f32
          %broadcast_in_dim3A_644 = vector.broadcast %jit3A_643 : f32 to vector<16xf32>
          %select_n3A_645 = arith.select %eq3A_642, %get3A_638, %broadcast_in_dim3A_644 : vector<16xi1>, vector<16xf32>
          %add3A_646 = arith.addf %add3A_630, %select_n3A_645 : vector<16xf32>
          %add3A_647 = arith.constant 80 : i32
          %add3A_648 = arith.addi %add3A_647, %scan3A_461 : i32
          %mul3A_649 = arith.constant 16 : i32
          %mul3A_650 = arith.muli %scan3A_471, %mul3A_649 : i32
          %get3A_651 = arith.index_cast %add3A_648 : i32 to index
          %get3A_652 = arith.index_cast %mul3A_650 : i32 to index
          %get3A_653 = tpu.vector_load %arg5[%get3A_651, %get3A_652] {strides = array<i32>} : memref<152x512xf32, #tpu.memory_space<vmem>>, vector<1x16xf32>,
          %get3A_654 = vector.shape_cast %get3A_653 : vector<1x16xf32> to vector<16xf32>
          %add3A_655 = arith.addf %add3A_639, %get3A_654 : vector<16xf32>
          %eq3A_656 = arith.constant 10 : i32
          %eq3A_657 = vector.broadcast %eq3A_656 : i32 to vector<16xi32>
          %eq3A_658 = arith.cmpi eq, %get3A_479, %eq3A_657 : vector<16xi32>
          %jit3A_659 = arith.constant 0.000000e+00 : f32
          %broadcast_in_dim3A_660 = vector.broadcast %jit3A_659 : f32 to vector<16xf32>
          %select_n3A_661 = arith.select %eq3A_658, %get3A_654, %broadcast_in_dim3A_660 : vector<16xi1>, vector<16xf32>
          %add3A_662 = arith.addf %add3A_646, %select_n3A_661 : vector<16xf32>
          %add3A_663 = arith.constant 88 : i32
          %add3A_664 = arith.addi %add3A_663, %scan3A_461 : i32
          %mul3A_665 = arith.constant 16 : i32
          %mul3A_666 = arith.muli %scan3A_471, %mul3A_665 : i32
          %get3A_667 = arith.index_cast %add3A_664 : i32 to index
          %get3A_668 = arith.index_cast %mul3A_666 : i32 to index
          %get3A_669 = tpu.vector_load %arg5[%get3A_667, %get3A_668] {strides = array<i32>} : memref<152x512xf32, #tpu.memory_space<vmem>>, vector<1x16xf32>,
          %get3A_670 = vector.shape_cast %get3A_669 : vector<1x16xf32> to vector<16xf32>
          %add3A_671 = arith.addf %add3A_655, %get3A_670 : vector<16xf32>
          %eq3A_672 = arith.constant 11 : i32
          %eq3A_673 = vector.broadcast %eq3A_672 : i32 to vector<16xi32>
          %eq3A_674 = arith.cmpi eq, %get3A_479, %eq3A_673 : vector<16xi32>
          %jit3A_675 = arith.constant 0.000000e+00 : f32
          %broadcast_in_dim3A_676 = vector.broadcast %jit3A_675 : f32 to vector<16xf32>
          %select_n3A_677 = arith.select %eq3A_674, %get3A_670, %broadcast_in_dim3A_676 : vector<16xi1>, vector<16xf32>
          %add3A_678 = arith.addf %add3A_662, %select_n3A_677 : vector<16xf32>
          %add3A_679 = arith.constant 96 : i32
          %add3A_680 = arith.addi %add3A_679, %scan3A_461 : i32
          %mul3A_681 = arith.constant 16 : i32
          %mul3A_682 = arith.muli %scan3A_471, %mul3A_681 : i32
          %get3A_683 = arith.index_cast %add3A_680 : i32 to index
          %get3A_684 = arith.index_cast %mul3A_682 : i32 to index
          %get3A_685 = tpu.vector_load %arg5[%get3A_683, %get3A_684] {strides = array<i32>} : memref<152x512xf32, #tpu.memory_space<vmem>>, vector<1x16xf32>,
          %get3A_686 = vector.shape_cast %get3A_685 : vector<1x16xf32> to vector<16xf32>
          %add3A_687 = arith.addf %add3A_671, %get3A_686 : vector<16xf32>
          %eq3A_688 = arith.constant 12 : i32
          %eq3A_689 = vector.broadcast %eq3A_688 : i32 to vector<16xi32>
          %eq3A_690 = arith.cmpi eq, %get3A_479, %eq3A_689 : vector<16xi32>
          %jit3A_691 = arith.constant 0.000000e+00 : f32
          %broadcast_in_dim3A_692 = vector.broadcast %jit3A_691 : f32 to vector<16xf32>
          %select_n3A_693 = arith.select %eq3A_690, %get3A_686, %broadcast_in_dim3A_692 : vector<16xi1>, vector<16xf32>
          %add3A_694 = arith.addf %add3A_678, %select_n3A_693 : vector<16xf32>
          %add3A_695 = arith.constant 104 : i32
          %add3A_696 = arith.addi %add3A_695, %scan3A_461 : i32
          %mul3A_697 = arith.constant 16 : i32
          %mul3A_698 = arith.muli %scan3A_471, %mul3A_697 : i32
          %get3A_699 = arith.index_cast %add3A_696 : i32 to index
          %get3A_700 = arith.index_cast %mul3A_698 : i32 to index
          %get3A_701 = tpu.vector_load %arg5[%get3A_699, %get3A_700] {strides = array<i32>} : memref<152x512xf32, #tpu.memory_space<vmem>>, vector<1x16xf32>,
          %get3A_702 = vector.shape_cast %get3A_701 : vector<1x16xf32> to vector<16xf32>
          %add3A_703 = arith.addf %add3A_687, %get3A_702 : vector<16xf32>
          %eq3A_704 = arith.constant 13 : i32
          %eq3A_705 = vector.broadcast %eq3A_704 : i32 to vector<16xi32>
          %eq3A_706 = arith.cmpi eq, %get3A_479, %eq3A_705 : vector<16xi32>
          %jit3A_707 = arith.constant 0.000000e+00 : f32
          %broadcast_in_dim3A_708 = vector.broadcast %jit3A_707 : f32 to vector<16xf32>
          %select_n3A_709 = arith.select %eq3A_706, %get3A_702, %broadcast_in_dim3A_708 : vector<16xi1>, vector<16xf32>
          %add3A_710 = arith.addf %add3A_694, %select_n3A_709 : vector<16xf32>
          %add3A_711 = arith.constant 112 : i32
          %add3A_712 = arith.addi %add3A_711, %scan3A_461 : i32
          %mul3A_713 = arith.constant 16 : i32
          %mul3A_714 = arith.muli %scan3A_471, %mul3A_713 : i32
          %get3A_715 = arith.index_cast %add3A_712 : i32 to index
          %get3A_716 = arith.index_cast %mul3A_714 : i32 to index
          %get3A_717 = tpu.vector_load %arg5[%get3A_715, %get3A_716] {strides = array<i32>} : memref<152x512xf32, #tpu.memory_space<vmem>>, vector<1x16xf32>,
          %get3A_718 = vector.shape_cast %get3A_717 : vector<1x16xf32> to vector<16xf32>
          %add3A_719 = arith.addf %add3A_703, %get3A_718 : vector<16xf32>
          %eq3A_720 = arith.constant 14 : i32
          %eq3A_721 = vector.broadcast %eq3A_720 : i32 to vector<16xi32>
          %eq3A_722 = arith.cmpi eq, %get3A_479, %eq3A_721 : vector<16xi32>
          %jit3A_723 = arith.constant 0.000000e+00 : f32
          %broadcast_in_dim3A_724 = vector.broadcast %jit3A_723 : f32 to vector<16xf32>
          %select_n3A_725 = arith.select %eq3A_722, %get3A_718, %broadcast_in_dim3A_724 : vector<16xi1>, vector<16xf32>
          %add3A_726 = arith.addf %add3A_710, %select_n3A_725 : vector<16xf32>
          %add3A_727 = arith.constant 120 : i32
          %add3A_728 = arith.addi %add3A_727, %scan3A_461 : i32
          %mul3A_729 = arith.constant 16 : i32
          %mul3A_730 = arith.muli %scan3A_471, %mul3A_729 : i32
          %get3A_731 = arith.index_cast %add3A_728 : i32 to index
          %get3A_732 = arith.index_cast %mul3A_730 : i32 to index
          %get3A_733 = tpu.vector_load %arg5[%get3A_731, %get3A_732] {strides = array<i32>} : memref<152x512xf32, #tpu.memory_space<vmem>>, vector<1x16xf32>,
          %get3A_734 = vector.shape_cast %get3A_733 : vector<1x16xf32> to vector<16xf32>
          %add3A_735 = arith.addf %add3A_719, %get3A_734 : vector<16xf32>
          %eq3A_736 = arith.constant 15 : i32
          %eq3A_737 = vector.broadcast %eq3A_736 : i32 to vector<16xi32>
          %eq3A_738 = arith.cmpi eq, %get3A_479, %eq3A_737 : vector<16xi32>
          %jit3A_739 = arith.constant 0.000000e+00 : f32
          %broadcast_in_dim3A_740 = vector.broadcast %jit3A_739 : f32 to vector<16xf32>
          %select_n3A_741 = arith.select %eq3A_738, %get3A_734, %broadcast_in_dim3A_740 : vector<16xi1>, vector<16xf32>
          %add3A_742 = arith.addf %add3A_726, %select_n3A_741 : vector<16xf32>
          %add3A_743 = arith.constant 128 : i32
          %add3A_744 = arith.addi %add3A_743, %scan3A_461 : i32
          %mul3A_745 = arith.constant 16 : i32
          %mul3A_746 = arith.muli %scan3A_471, %mul3A_745 : i32
          %get3A_747 = arith.index_cast %add3A_744 : i32 to index
          %get3A_748 = arith.index_cast %mul3A_746 : i32 to index
          %get3A_749 = tpu.vector_load %arg5[%get3A_747, %get3A_748] {strides = array<i32>} : memref<152x512xf32, #tpu.memory_space<vmem>>, vector<1x16xf32>,
          %get3A_750 = vector.shape_cast %get3A_749 : vector<1x16xf32> to vector<16xf32>
          %add3A_751 = arith.addf %add3A_735, %get3A_750 : vector<16xf32>
          %eq3A_752 = arith.constant 16 : i32
          %eq3A_753 = vector.broadcast %eq3A_752 : i32 to vector<16xi32>
          %eq3A_754 = arith.cmpi eq, %get3A_479, %eq3A_753 : vector<16xi32>
          %jit3A_755 = arith.constant 0.000000e+00 : f32
          %broadcast_in_dim3A_756 = vector.broadcast %jit3A_755 : f32 to vector<16xf32>
          %select_n3A_757 = arith.select %eq3A_754, %get3A_750, %broadcast_in_dim3A_756 : vector<16xi1>, vector<16xf32>
          %add3A_758 = arith.addf %add3A_742, %select_n3A_757 : vector<16xf32>
          %add3A_759 = arith.constant 136 : i32
          %add3A_760 = arith.addi %add3A_759, %scan3A_461 : i32
          %mul3A_761 = arith.constant 16 : i32
          %mul3A_762 = arith.muli %scan3A_471, %mul3A_761 : i32
          %get3A_763 = arith.index_cast %add3A_760 : i32 to index
          %get3A_764 = arith.index_cast %mul3A_762 : i32 to index
          %get3A_765 = tpu.vector_load %arg5[%get3A_763, %get3A_764] {strides = array<i32>} : memref<152x512xf32, #tpu.memory_space<vmem>>, vector<1x16xf32>,
          %get3A_766 = vector.shape_cast %get3A_765 : vector<1x16xf32> to vector<16xf32>
          %add3A_767 = arith.addf %add3A_751, %get3A_766 : vector<16xf32>
          %eq3A_768 = arith.constant 17 : i32
          %eq3A_769 = vector.broadcast %eq3A_768 : i32 to vector<16xi32>
          %eq3A_770 = arith.cmpi eq, %get3A_479, %eq3A_769 : vector<16xi32>
          %jit3A_771 = arith.constant 0.000000e+00 : f32
          %broadcast_in_dim3A_772 = vector.broadcast %jit3A_771 : f32 to vector<16xf32>
          %select_n3A_773 = arith.select %eq3A_770, %get3A_766, %broadcast_in_dim3A_772 : vector<16xi1>, vector<16xf32>
          %add3A_774 = arith.addf %add3A_758, %select_n3A_773 : vector<16xf32>
          %add3A_775 = arith.constant 144 : i32
          %add3A_776 = arith.addi %add3A_775, %scan3A_461 : i32
          %mul3A_777 = arith.constant 16 : i32
          %mul3A_778 = arith.muli %scan3A_471, %mul3A_777 : i32
          %get3A_779 = arith.index_cast %add3A_776 : i32 to index
          %get3A_780 = arith.index_cast %mul3A_778 : i32 to index
          %get3A_781 = tpu.vector_load %arg5[%get3A_779, %get3A_780] {strides = array<i32>} : memref<152x512xf32, #tpu.memory_space<vmem>>, vector<1x16xf32>,
          %get3A_782 = vector.shape_cast %get3A_781 : vector<1x16xf32> to vector<16xf32>
          %add3A_783 = arith.addf %add3A_767, %get3A_782 : vector<16xf32>
          %eq3A_784 = arith.constant 18 : i32
          %eq3A_785 = vector.broadcast %eq3A_784 : i32 to vector<16xi32>
          %eq3A_786 = arith.cmpi eq, %get3A_479, %eq3A_785 : vector<16xi32>
          %jit3A_787 = arith.constant 0.000000e+00 : f32
          %broadcast_in_dim3A_788 = vector.broadcast %jit3A_787 : f32 to vector<16xf32>
          %select_n3A_789 = arith.select %eq3A_786, %get3A_782, %broadcast_in_dim3A_788 : vector<16xi1>, vector<16xf32>
          %add3A_790 = arith.addf %add3A_774, %select_n3A_789 : vector<16xf32>
          scf.yield %add3A_783, %add3A_790, %add3A_487 : vector<16xf32>, vector<16xf32>, vector<16xf32>
        }
        %scan3A_470 = arith.constant 32 : i32
        scf.yield %scan3A_469#0, %scan3A_469#1, %scan3A_469#2 : vector<16xf32>, vector<16xf32>, vector<16xf32>
      }
      %scan3A_460 = arith.constant 8 : i32
      scf.yield %scan3A_459#0, %scan3A_459#1, %scan3A_459#2 : vector<16xf32>, vector<16xf32>, vector<16xf32>
    }
    %scan3A_6 = arith.constant 2 : i32
    %swap3A = arith.constant 0 : index
    %swap3A_7 = tpu.vector_load %arg7[%swap3A] {strides = array<i32>} : memref<48xf32, #tpu.memory_space<vmem>>, vector<16xf32>,
    %swap3A_8 = vector.shape_cast %swap3A_7 : vector<16xf32> to vector<16xf32>
    %swap3A_9 = vector.shape_cast %scan3A_5#0 : vector<16xf32> to vector<16xf32>
    tpu.vector_store %arg7[%swap3A], %swap3A_9 {strides = array<i32>} : memref<48xf32, #tpu.memory_space<vmem>>, vector<16xf32>,
    %swap3A_10 = arith.constant 16 : index
    %swap3A_11 = tpu.vector_load %arg7[%swap3A_10] {strides = array<i32>} : memref<48xf32, #tpu.memory_space<vmem>>, vector<16xf32>,
    %swap3A_12 = vector.shape_cast %swap3A_11 : vector<16xf32> to vector<16xf32>
    %swap3A_13 = vector.shape_cast %scan3A_5#1 : vector<16xf32> to vector<16xf32>
    tpu.vector_store %arg7[%swap3A_10], %swap3A_13 {strides = array<i32>} : memref<48xf32, #tpu.memory_space<vmem>>, vector<16xf32>,
    %swap3A_14 = arith.constant 32 : index
    %swap3A_15 = tpu.vector_load %arg7[%swap3A_14] {strides = array<i32>} : memref<48xf32, #tpu.memory_space<vmem>>, vector<16xf32>,
    %swap3A_16 = vector.shape_cast %swap3A_15 : vector<16xf32> to vector<16xf32>
    %swap3A_17 = vector.shape_cast %scan3A_5#2 : vector<16xf32> to vector<16xf32>
    tpu.vector_store %arg7[%swap3A_14], %swap3A_17 {strides = array<i32>} : memref<48xf32, #tpu.memory_space<vmem>>, vector<16xf32>,
    %mul3A_18 = arith.constant 48 : i32
    %mul3A_19 = arith.muli %add3A, %mul3A_18 : i32
    "tpu.region"() ({
      %run_scoped3A = tpu.sem_alloc : memref<!tpu.dma_semaphore, #tpu.memory_space<semaphore_mem>>
      %dma_start3A = tpu.memref_slice %arg4[%mul3A_19] : memref<1536xf32, #tpu.memory_space<hbm>> -> memref<48xf32, #tpu.memory_space<hbm>>
      %dma_start3A_20 = tpu.memref_slice %arg4[%mul3A_19] : memref<1536xf32, #tpu.memory_space<hbm>> -> memref<48xf32, #tpu.memory_space<hbm>>
      tpu.enqueue_dma source(%arg7 : memref<48xf32, #tpu.memory_space<vmem>>) target(%dma_start3A_20 : memref<48xf32, #tpu.memory_space<hbm>>) target_semaphore(%run_scoped3A : memref<!tpu.dma_semaphore, #tpu.memory_space<semaphore_mem>>)
      %dma_wait3A = tpu.memref_slice %arg4[%mul3A_19] : memref<1536xf32, #tpu.memory_space<hbm>> -> memref<48xf32, #tpu.memory_space<hbm>>
      %dma_wait3A_21 = tpu.memref_slice %arg4[%mul3A_19] : memref<1536xf32, #tpu.memory_space<hbm>> -> memref<48xf32, #tpu.memory_space<hbm>>
      tpu.wait_dma2 semaphore(%run_scoped3A : memref<!tpu.dma_semaphore, #tpu.memory_space<semaphore_mem>>) src(%arg7 : memref<48xf32, #tpu.memory_space<vmem>>) dst(%dma_wait3A_21 : memref<48xf32, #tpu.memory_space<hbm>>)
      tpu.yield
    }) : () -> ()
    return
  }
}

module attributes {stable_mosaic.version = 14 : i64} {
  func.func @_dice_tc_kernel(%arg0: i32, %arg1: memref<1x19x256x512xf32, #tpu.memory_space<vmem>>, %arg2: memref<1x256x512xi32, #tpu.memory_space<vmem>>, %arg3: memref<1x3xf32, #tpu.memory_space<smem>>, %arg4: memref<3x512xf32, #tpu.memory_space<vmem>>) attributes {dimension_semantics = [#tpu.dimension_semantics<arbitrary>], iteration_bounds = array<i64: 14>, scalar_prefetch = 0 : i64, scratch_operands = 1 : i64, tpu.core_type = #tpu.core_type<tc>, window_params = [{transform_indices = @transform_0, window_bounds = array<i64: 1, 19, 256, 512>}, {transform_indices = @transform_1, window_bounds = array<i64: 1, 256, 512>}, {transform_indices = @transform_2, window_bounds = array<i64: 1, 3>}]} {
    %get3A = arith.constant 0 : index
    %get3A_0 = arith.constant 0 : index
    %get3A_1 = arith.constant 0 : index
    %get3A_2 = arith.constant 0 : index
    %get3A_3 = vector.load %arg1[%get3A, %get3A_0, %get3A_1, %get3A_2] : memref<1x19x256x512xf32, #tpu.memory_space<vmem>>, vector<1x19x256x512xf32>
    %get3A_4 = vector.shape_cast %get3A_3 : vector<1x19x256x512xf32> to vector<19x256x512xf32>
    %get3A_5 = arith.constant 0 : index
    %get3A_6 = arith.constant 0 : index
    %get3A_7 = arith.constant 0 : index
    %get3A_8 = vector.load %arg2[%get3A_5, %get3A_6, %get3A_7] : memref<1x256x512xi32, #tpu.memory_space<vmem>>, vector<1x256x512xi32>
    %get3A_9 = vector.shape_cast %get3A_8 : vector<1x256x512xi32> to vector<256x512xi32>
    %eq3A = arith.constant 0 : i32
    %eq3A_10 = vector.broadcast %eq3A : i32 to vector<256x512xi32>
    %eq3A_11 = arith.cmpi eq, %get3A_9, %eq3A_10 : vector<256x512xi32>
    %slice3A = vector.extract_strided_slice %get3A_4 {offsets = [0, 0, 0], sizes = [1, 256, 512], strides = [1, 1, 1]} : vector<19x256x512xf32> to vector<1x256x512xf32>
    %squeeze3A = vector.shape_cast %slice3A : vector<1x256x512xf32> to vector<256x512xf32>
    %jit3A = arith.constant 0.000000e+00 : f32
    %broadcast_in_dim3A = vector.broadcast %jit3A : f32 to vector<256x512xf32>
    %select_n3A = arith.select %eq3A_11, %squeeze3A, %broadcast_in_dim3A : vector<256x512xi1>, vector<256x512xf32>
    %eq3A_12 = arith.constant 1 : i32
    %eq3A_13 = vector.broadcast %eq3A_12 : i32 to vector<256x512xi32>
    %eq3A_14 = arith.cmpi eq, %get3A_9, %eq3A_13 : vector<256x512xi32>
    %slice3A_15 = vector.extract_strided_slice %get3A_4 {offsets = [1, 0, 0], sizes = [1, 256, 512], strides = [1, 1, 1]} : vector<19x256x512xf32> to vector<1x256x512xf32>
    %squeeze3A_16 = vector.shape_cast %slice3A_15 : vector<1x256x512xf32> to vector<256x512xf32>
    %jit3A_17 = arith.constant 0.000000e+00 : f32
    %broadcast_in_dim3A_18 = vector.broadcast %jit3A_17 : f32 to vector<256x512xf32>
    %select_n3A_19 = arith.select %eq3A_14, %squeeze3A_16, %broadcast_in_dim3A_18 : vector<256x512xi1>, vector<256x512xf32>
    %add3A = arith.addf %select_n3A, %select_n3A_19 : vector<256x512xf32>
    %eq3A_20 = arith.constant 2 : i32
    %eq3A_21 = vector.broadcast %eq3A_20 : i32 to vector<256x512xi32>
    %eq3A_22 = arith.cmpi eq, %get3A_9, %eq3A_21 : vector<256x512xi32>
    %slice3A_23 = vector.extract_strided_slice %get3A_4 {offsets = [2, 0, 0], sizes = [1, 256, 512], strides = [1, 1, 1]} : vector<19x256x512xf32> to vector<1x256x512xf32>
    %squeeze3A_24 = vector.shape_cast %slice3A_23 : vector<1x256x512xf32> to vector<256x512xf32>
    %jit3A_25 = arith.constant 0.000000e+00 : f32
    %broadcast_in_dim3A_26 = vector.broadcast %jit3A_25 : f32 to vector<256x512xf32>
    %select_n3A_27 = arith.select %eq3A_22, %squeeze3A_24, %broadcast_in_dim3A_26 : vector<256x512xi1>, vector<256x512xf32>
    %add3A_28 = arith.addf %add3A, %select_n3A_27 : vector<256x512xf32>
    %eq3A_29 = arith.constant 3 : i32
    %eq3A_30 = vector.broadcast %eq3A_29 : i32 to vector<256x512xi32>
    %eq3A_31 = arith.cmpi eq, %get3A_9, %eq3A_30 : vector<256x512xi32>
    %slice3A_32 = vector.extract_strided_slice %get3A_4 {offsets = [3, 0, 0], sizes = [1, 256, 512], strides = [1, 1, 1]} : vector<19x256x512xf32> to vector<1x256x512xf32>
    %squeeze3A_33 = vector.shape_cast %slice3A_32 : vector<1x256x512xf32> to vector<256x512xf32>
    %jit3A_34 = arith.constant 0.000000e+00 : f32
    %broadcast_in_dim3A_35 = vector.broadcast %jit3A_34 : f32 to vector<256x512xf32>
    %select_n3A_36 = arith.select %eq3A_31, %squeeze3A_33, %broadcast_in_dim3A_35 : vector<256x512xi1>, vector<256x512xf32>
    %add3A_37 = arith.addf %add3A_28, %select_n3A_36 : vector<256x512xf32>
    %eq3A_38 = arith.constant 4 : i32
    %eq3A_39 = vector.broadcast %eq3A_38 : i32 to vector<256x512xi32>
    %eq3A_40 = arith.cmpi eq, %get3A_9, %eq3A_39 : vector<256x512xi32>
    %slice3A_41 = vector.extract_strided_slice %get3A_4 {offsets = [4, 0, 0], sizes = [1, 256, 512], strides = [1, 1, 1]} : vector<19x256x512xf32> to vector<1x256x512xf32>
    %squeeze3A_42 = vector.shape_cast %slice3A_41 : vector<1x256x512xf32> to vector<256x512xf32>
    %jit3A_43 = arith.constant 0.000000e+00 : f32
    %broadcast_in_dim3A_44 = vector.broadcast %jit3A_43 : f32 to vector<256x512xf32>
    %select_n3A_45 = arith.select %eq3A_40, %squeeze3A_42, %broadcast_in_dim3A_44 : vector<256x512xi1>, vector<256x512xf32>
    %add3A_46 = arith.addf %add3A_37, %select_n3A_45 : vector<256x512xf32>
    %eq3A_47 = arith.constant 5 : i32
    %eq3A_48 = vector.broadcast %eq3A_47 : i32 to vector<256x512xi32>
    %eq3A_49 = arith.cmpi eq, %get3A_9, %eq3A_48 : vector<256x512xi32>
    %slice3A_50 = vector.extract_strided_slice %get3A_4 {offsets = [5, 0, 0], sizes = [1, 256, 512], strides = [1, 1, 1]} : vector<19x256x512xf32> to vector<1x256x512xf32>
    %squeeze3A_51 = vector.shape_cast %slice3A_50 : vector<1x256x512xf32> to vector<256x512xf32>
    %jit3A_52 = arith.constant 0.000000e+00 : f32
    %broadcast_in_dim3A_53 = vector.broadcast %jit3A_52 : f32 to vector<256x512xf32>
    %select_n3A_54 = arith.select %eq3A_49, %squeeze3A_51, %broadcast_in_dim3A_53 : vector<256x512xi1>, vector<256x512xf32>
    %add3A_55 = arith.addf %add3A_46, %select_n3A_54 : vector<256x512xf32>
    %eq3A_56 = arith.constant 6 : i32
    %eq3A_57 = vector.broadcast %eq3A_56 : i32 to vector<256x512xi32>
    %eq3A_58 = arith.cmpi eq, %get3A_9, %eq3A_57 : vector<256x512xi32>
    %slice3A_59 = vector.extract_strided_slice %get3A_4 {offsets = [6, 0, 0], sizes = [1, 256, 512], strides = [1, 1, 1]} : vector<19x256x512xf32> to vector<1x256x512xf32>
    %squeeze3A_60 = vector.shape_cast %slice3A_59 : vector<1x256x512xf32> to vector<256x512xf32>
    %jit3A_61 = arith.constant 0.000000e+00 : f32
    %broadcast_in_dim3A_62 = vector.broadcast %jit3A_61 : f32 to vector<256x512xf32>
    %select_n3A_63 = arith.select %eq3A_58, %squeeze3A_60, %broadcast_in_dim3A_62 : vector<256x512xi1>, vector<256x512xf32>
    %add3A_64 = arith.addf %add3A_55, %select_n3A_63 : vector<256x512xf32>
    %eq3A_65 = arith.constant 7 : i32
    %eq3A_66 = vector.broadcast %eq3A_65 : i32 to vector<256x512xi32>
    %eq3A_67 = arith.cmpi eq, %get3A_9, %eq3A_66 : vector<256x512xi32>
    %slice3A_68 = vector.extract_strided_slice %get3A_4 {offsets = [7, 0, 0], sizes = [1, 256, 512], strides = [1, 1, 1]} : vector<19x256x512xf32> to vector<1x256x512xf32>
    %squeeze3A_69 = vector.shape_cast %slice3A_68 : vector<1x256x512xf32> to vector<256x512xf32>
    %jit3A_70 = arith.constant 0.000000e+00 : f32
    %broadcast_in_dim3A_71 = vector.broadcast %jit3A_70 : f32 to vector<256x512xf32>
    %select_n3A_72 = arith.select %eq3A_67, %squeeze3A_69, %broadcast_in_dim3A_71 : vector<256x512xi1>, vector<256x512xf32>
    %add3A_73 = arith.addf %add3A_64, %select_n3A_72 : vector<256x512xf32>
    %eq3A_74 = arith.constant 8 : i32
    %eq3A_75 = vector.broadcast %eq3A_74 : i32 to vector<256x512xi32>
    %eq3A_76 = arith.cmpi eq, %get3A_9, %eq3A_75 : vector<256x512xi32>
    %slice3A_77 = vector.extract_strided_slice %get3A_4 {offsets = [8, 0, 0], sizes = [1, 256, 512], strides = [1, 1, 1]} : vector<19x256x512xf32> to vector<1x256x512xf32>
    %squeeze3A_78 = vector.shape_cast %slice3A_77 : vector<1x256x512xf32> to vector<256x512xf32>
    %jit3A_79 = arith.constant 0.000000e+00 : f32
    %broadcast_in_dim3A_80 = vector.broadcast %jit3A_79 : f32 to vector<256x512xf32>
    %select_n3A_81 = arith.select %eq3A_76, %squeeze3A_78, %broadcast_in_dim3A_80 : vector<256x512xi1>, vector<256x512xf32>
    %add3A_82 = arith.addf %add3A_73, %select_n3A_81 : vector<256x512xf32>
    %eq3A_83 = arith.constant 9 : i32
    %eq3A_84 = vector.broadcast %eq3A_83 : i32 to vector<256x512xi32>
    %eq3A_85 = arith.cmpi eq, %get3A_9, %eq3A_84 : vector<256x512xi32>
    %slice3A_86 = vector.extract_strided_slice %get3A_4 {offsets = [9, 0, 0], sizes = [1, 256, 512], strides = [1, 1, 1]} : vector<19x256x512xf32> to vector<1x256x512xf32>
    %squeeze3A_87 = vector.shape_cast %slice3A_86 : vector<1x256x512xf32> to vector<256x512xf32>
    %jit3A_88 = arith.constant 0.000000e+00 : f32
    %broadcast_in_dim3A_89 = vector.broadcast %jit3A_88 : f32 to vector<256x512xf32>
    %select_n3A_90 = arith.select %eq3A_85, %squeeze3A_87, %broadcast_in_dim3A_89 : vector<256x512xi1>, vector<256x512xf32>
    %add3A_91 = arith.addf %add3A_82, %select_n3A_90 : vector<256x512xf32>
    %eq3A_92 = arith.constant 10 : i32
    %eq3A_93 = vector.broadcast %eq3A_92 : i32 to vector<256x512xi32>
    %eq3A_94 = arith.cmpi eq, %get3A_9, %eq3A_93 : vector<256x512xi32>
    %slice3A_95 = vector.extract_strided_slice %get3A_4 {offsets = [10, 0, 0], sizes = [1, 256, 512], strides = [1, 1, 1]} : vector<19x256x512xf32> to vector<1x256x512xf32>
    %squeeze3A_96 = vector.shape_cast %slice3A_95 : vector<1x256x512xf32> to vector<256x512xf32>
    %jit3A_97 = arith.constant 0.000000e+00 : f32
    %broadcast_in_dim3A_98 = vector.broadcast %jit3A_97 : f32 to vector<256x512xf32>
    %select_n3A_99 = arith.select %eq3A_94, %squeeze3A_96, %broadcast_in_dim3A_98 : vector<256x512xi1>, vector<256x512xf32>
    %add3A_100 = arith.addf %add3A_91, %select_n3A_99 : vector<256x512xf32>
    %eq3A_101 = arith.constant 11 : i32
    %eq3A_102 = vector.broadcast %eq3A_101 : i32 to vector<256x512xi32>
    %eq3A_103 = arith.cmpi eq, %get3A_9, %eq3A_102 : vector<256x512xi32>
    %slice3A_104 = vector.extract_strided_slice %get3A_4 {offsets = [11, 0, 0], sizes = [1, 256, 512], strides = [1, 1, 1]} : vector<19x256x512xf32> to vector<1x256x512xf32>
    %squeeze3A_105 = vector.shape_cast %slice3A_104 : vector<1x256x512xf32> to vector<256x512xf32>
    %jit3A_106 = arith.constant 0.000000e+00 : f32
    %broadcast_in_dim3A_107 = vector.broadcast %jit3A_106 : f32 to vector<256x512xf32>
    %select_n3A_108 = arith.select %eq3A_103, %squeeze3A_105, %broadcast_in_dim3A_107 : vector<256x512xi1>, vector<256x512xf32>
    %add3A_109 = arith.addf %add3A_100, %select_n3A_108 : vector<256x512xf32>
    %eq3A_110 = arith.constant 12 : i32
    %eq3A_111 = vector.broadcast %eq3A_110 : i32 to vector<256x512xi32>
    %eq3A_112 = arith.cmpi eq, %get3A_9, %eq3A_111 : vector<256x512xi32>
    %slice3A_113 = vector.extract_strided_slice %get3A_4 {offsets = [12, 0, 0], sizes = [1, 256, 512], strides = [1, 1, 1]} : vector<19x256x512xf32> to vector<1x256x512xf32>
    %squeeze3A_114 = vector.shape_cast %slice3A_113 : vector<1x256x512xf32> to vector<256x512xf32>
    %jit3A_115 = arith.constant 0.000000e+00 : f32
    %broadcast_in_dim3A_116 = vector.broadcast %jit3A_115 : f32 to vector<256x512xf32>
    %select_n3A_117 = arith.select %eq3A_112, %squeeze3A_114, %broadcast_in_dim3A_116 : vector<256x512xi1>, vector<256x512xf32>
    %add3A_118 = arith.addf %add3A_109, %select_n3A_117 : vector<256x512xf32>
    %eq3A_119 = arith.constant 13 : i32
    %eq3A_120 = vector.broadcast %eq3A_119 : i32 to vector<256x512xi32>
    %eq3A_121 = arith.cmpi eq, %get3A_9, %eq3A_120 : vector<256x512xi32>
    %slice3A_122 = vector.extract_strided_slice %get3A_4 {offsets = [13, 0, 0], sizes = [1, 256, 512], strides = [1, 1, 1]} : vector<19x256x512xf32> to vector<1x256x512xf32>
    %squeeze3A_123 = vector.shape_cast %slice3A_122 : vector<1x256x512xf32> to vector<256x512xf32>
    %jit3A_124 = arith.constant 0.000000e+00 : f32
    %broadcast_in_dim3A_125 = vector.broadcast %jit3A_124 : f32 to vector<256x512xf32>
    %select_n3A_126 = arith.select %eq3A_121, %squeeze3A_123, %broadcast_in_dim3A_125 : vector<256x512xi1>, vector<256x512xf32>
    %add3A_127 = arith.addf %add3A_118, %select_n3A_126 : vector<256x512xf32>
    %eq3A_128 = arith.constant 14 : i32
    %eq3A_129 = vector.broadcast %eq3A_128 : i32 to vector<256x512xi32>
    %eq3A_130 = arith.cmpi eq, %get3A_9, %eq3A_129 : vector<256x512xi32>
    %slice3A_131 = vector.extract_strided_slice %get3A_4 {offsets = [14, 0, 0], sizes = [1, 256, 512], strides = [1, 1, 1]} : vector<19x256x512xf32> to vector<1x256x512xf32>
    %squeeze3A_132 = vector.shape_cast %slice3A_131 : vector<1x256x512xf32> to vector<256x512xf32>
    %jit3A_133 = arith.constant 0.000000e+00 : f32
    %broadcast_in_dim3A_134 = vector.broadcast %jit3A_133 : f32 to vector<256x512xf32>
    %select_n3A_135 = arith.select %eq3A_130, %squeeze3A_132, %broadcast_in_dim3A_134 : vector<256x512xi1>, vector<256x512xf32>
    %add3A_136 = arith.addf %add3A_127, %select_n3A_135 : vector<256x512xf32>
    %eq3A_137 = arith.constant 15 : i32
    %eq3A_138 = vector.broadcast %eq3A_137 : i32 to vector<256x512xi32>
    %eq3A_139 = arith.cmpi eq, %get3A_9, %eq3A_138 : vector<256x512xi32>
    %slice3A_140 = vector.extract_strided_slice %get3A_4 {offsets = [15, 0, 0], sizes = [1, 256, 512], strides = [1, 1, 1]} : vector<19x256x512xf32> to vector<1x256x512xf32>
    %squeeze3A_141 = vector.shape_cast %slice3A_140 : vector<1x256x512xf32> to vector<256x512xf32>
    %jit3A_142 = arith.constant 0.000000e+00 : f32
    %broadcast_in_dim3A_143 = vector.broadcast %jit3A_142 : f32 to vector<256x512xf32>
    %select_n3A_144 = arith.select %eq3A_139, %squeeze3A_141, %broadcast_in_dim3A_143 : vector<256x512xi1>, vector<256x512xf32>
    %add3A_145 = arith.addf %add3A_136, %select_n3A_144 : vector<256x512xf32>
    %eq3A_146 = arith.constant 16 : i32
    %eq3A_147 = vector.broadcast %eq3A_146 : i32 to vector<256x512xi32>
    %eq3A_148 = arith.cmpi eq, %get3A_9, %eq3A_147 : vector<256x512xi32>
    %slice3A_149 = vector.extract_strided_slice %get3A_4 {offsets = [16, 0, 0], sizes = [1, 256, 512], strides = [1, 1, 1]} : vector<19x256x512xf32> to vector<1x256x512xf32>
    %squeeze3A_150 = vector.shape_cast %slice3A_149 : vector<1x256x512xf32> to vector<256x512xf32>
    %jit3A_151 = arith.constant 0.000000e+00 : f32
    %broadcast_in_dim3A_152 = vector.broadcast %jit3A_151 : f32 to vector<256x512xf32>
    %select_n3A_153 = arith.select %eq3A_148, %squeeze3A_150, %broadcast_in_dim3A_152 : vector<256x512xi1>, vector<256x512xf32>
    %add3A_154 = arith.addf %add3A_145, %select_n3A_153 : vector<256x512xf32>
    %eq3A_155 = arith.constant 17 : i32
    %eq3A_156 = vector.broadcast %eq3A_155 : i32 to vector<256x512xi32>
    %eq3A_157 = arith.cmpi eq, %get3A_9, %eq3A_156 : vector<256x512xi32>
    %slice3A_158 = vector.extract_strided_slice %get3A_4 {offsets = [17, 0, 0], sizes = [1, 256, 512], strides = [1, 1, 1]} : vector<19x256x512xf32> to vector<1x256x512xf32>
    %squeeze3A_159 = vector.shape_cast %slice3A_158 : vector<1x256x512xf32> to vector<256x512xf32>
    %jit3A_160 = arith.constant 0.000000e+00 : f32
    %broadcast_in_dim3A_161 = vector.broadcast %jit3A_160 : f32 to vector<256x512xf32>
    %select_n3A_162 = arith.select %eq3A_157, %squeeze3A_159, %broadcast_in_dim3A_161 : vector<256x512xi1>, vector<256x512xf32>
    %add3A_163 = arith.addf %add3A_154, %select_n3A_162 : vector<256x512xf32>
    %eq3A_164 = arith.constant 18 : i32
    %eq3A_165 = vector.broadcast %eq3A_164 : i32 to vector<256x512xi32>
    %eq3A_166 = arith.cmpi eq, %get3A_9, %eq3A_165 : vector<256x512xi32>
    %slice3A_167 = vector.extract_strided_slice %get3A_4 {offsets = [18, 0, 0], sizes = [1, 256, 512], strides = [1, 1, 1]} : vector<19x256x512xf32> to vector<1x256x512xf32>
    %squeeze3A_168 = vector.shape_cast %slice3A_167 : vector<1x256x512xf32> to vector<256x512xf32>
    %jit3A_169 = arith.constant 0.000000e+00 : f32
    %broadcast_in_dim3A_170 = vector.broadcast %jit3A_169 : f32 to vector<256x512xf32>
    %select_n3A_171 = arith.select %eq3A_166, %squeeze3A_168, %broadcast_in_dim3A_170 : vector<256x512xi1>, vector<256x512xf32>
    %add3A_172 = arith.addf %add3A_163, %select_n3A_171 : vector<256x512xf32>
    %reduce_sum3A = arith.constant dense<0.000000e+00> : vector<512xf32>
    %reduce_sum3A_173 = vector.multi_reduction <add>, %add3A_172, %reduce_sum3A [0] : vector<256x512xf32> to vector<512xf32>
    %broadcast_in_dim3A_174 = vector.shape_cast %reduce_sum3A_173 : vector<512xf32> to vector<1x512xf32>
    %reshape3A = vector.shape_cast %get3A_4 : vector<19x256x512xf32> to vector<4864x512xf32>
    %broadcast_in_dim3A_175 = arith.constant 1.000000e+00 : f32
    %broadcast_in_dim3A_176 = vector.broadcast %broadcast_in_dim3A_175 : f32 to vector<1x4864xf32>
    %dot_general3A = arith.constant dense<0.000000e+00> : vector<1x512xf32>
    %dot_general3A_177 = tpu.matmul %broadcast_in_dim3A_176, %reshape3A, %dot_general3A {dimension_numbers = #tpu.dot_dimension_numbers<[1], [0], [0], [1], [0, 0, 1, 1], [], []>, transpose_lhs_hint = false} : vector<1x4864xf32>, vector<4864x512xf32>, vector<1x512xf32> -> vector<1x512xf32>
    %ge3A = arith.constant 0 : i32
    %ge3A_178 = vector.broadcast %ge3A : i32 to vector<256x512xi32>
    %ge3A_179 = arith.cmpi sge, %get3A_9, %ge3A_178 : vector<256x512xi32>
    %lt3A = arith.constant 19 : i32
    %lt3A_180 = vector.broadcast %lt3A : i32 to vector<256x512xi32>
    %lt3A_181 = arith.cmpi slt, %get3A_9, %lt3A_180 : vector<256x512xi32>
    %and3A = arith.andi %ge3A_179, %lt3A_181 : vector<256x512xi1>
    %jit3A_182 = arith.constant 1.000000e+00 : f32
    %jit3A_183 = arith.constant 0.000000e+00 : f32
    %broadcast_in_dim3A_184 = vector.broadcast %jit3A_182 : f32 to vector<256x512xf32>
    %broadcast_in_dim3A_185 = vector.broadcast %jit3A_183 : f32 to vector<256x512xf32>
    %select_n3A_186 = arith.select %and3A, %broadcast_in_dim3A_184, %broadcast_in_dim3A_185 : vector<256x512xi1>, vector<256x512xf32>
    %reduce_sum3A_187 = arith.constant dense<0.000000e+00> : vector<512xf32>
    %reduce_sum3A_188 = vector.multi_reduction <add>, %select_n3A_186, %reduce_sum3A_187 [0] : vector<256x512xf32> to vector<512xf32>
    %broadcast_in_dim3A_189 = vector.shape_cast %reduce_sum3A_188 : vector<512xf32> to vector<1x512xf32>
    %concatenate3A = tpu.concatenate %dot_general3A_177, %broadcast_in_dim3A_174, %broadcast_in_dim3A_189 in 0 : vector<1x512xf32>, vector<1x512xf32>, vector<1x512xf32> -> vector<3x512xf32>
    %eq3A_190 = arith.constant 0 : i32
    %eq3A_191 = arith.cmpi eq, %arg0, %eq3A_190 : i32
    %convert_element_type3A = arith.extui %eq3A_191 : i1 to i32
    %cond3A = arith.constant 0 : i32
    %cond3A_192 = arith.cmpi ne, %convert_element_type3A, %cond3A : i32
    scf.if %cond3A_192 {
      %swap3A = arith.constant 0 : index
      %swap3A_202 = arith.constant 0 : index
      %swap3A_203 = vector.load %arg4[%swap3A, %swap3A_202] : memref<3x512xf32, #tpu.memory_space<vmem>>, vector<3x512xf32>
      tpu.vector_store %arg4[%swap3A, %swap3A_202], %concatenate3A {strides = array<i32>} : memref<3x512xf32, #tpu.memory_space<vmem>>, vector<3x512xf32>,
    } else {
    }
    %ne3A = arith.constant 0 : i32
    %ne3A_193 = arith.cmpi ne, %arg0, %ne3A : i32
    %convert_element_type3A_194 = arith.extui %ne3A_193 : i1 to i32
    %cond3A_195 = arith.constant 0 : i32
    %cond3A_196 = arith.cmpi ne, %convert_element_type3A_194, %cond3A_195 : i32
    scf.if %cond3A_196 {
      %get3A_202 = arith.constant 0 : index
      %get3A_203 = arith.constant 0 : index
      %get3A_204 = vector.load %arg4[%get3A_202, %get3A_203] : memref<3x512xf32, #tpu.memory_space<vmem>>, vector<3x512xf32>
      %add3A_205 = arith.addf %get3A_204, %concatenate3A : vector<3x512xf32>
      %swap3A = arith.constant 0 : index
      %swap3A_206 = arith.constant 0 : index
      %swap3A_207 = vector.load %arg4[%swap3A, %swap3A_206] : memref<3x512xf32, #tpu.memory_space<vmem>>, vector<3x512xf32>
      tpu.vector_store %arg4[%swap3A, %swap3A_206], %add3A_205 {strides = array<i32>} : memref<3x512xf32, #tpu.memory_space<vmem>>, vector<3x512xf32>,
    } else {
    }
    %eq3A_197 = arith.constant 13 : i32
    %eq3A_198 = arith.cmpi eq, %arg0, %eq3A_197 : i32
    %convert_element_type3A_199 = arith.extui %eq3A_198 : i1 to i32
    %cond3A_200 = arith.constant 0 : i32
    %cond3A_201 = arith.cmpi ne, %convert_element_type3A_199, %cond3A_200 : i32
    scf.if %cond3A_201 {
      %get3A_202 = arith.constant 0 : index
      %get3A_203 = arith.constant 0 : index
      %get3A_204 = vector.load %arg4[%get3A_202, %get3A_203] : memref<3x512xf32, #tpu.memory_space<vmem>>, vector<3x512xf32>
      %slice3A_205 = vector.extract_strided_slice %get3A_204 {offsets = [0, 0], sizes = [1, 512], strides = [1, 1]} : vector<3x512xf32> to vector<1x512xf32>
      %squeeze3A_206 = vector.shape_cast %slice3A_205 : vector<1x512xf32> to vector<512xf32>
      %reduce_sum3A_207 = vector.shape_cast %squeeze3A_206 : vector<512xf32> to vector<1x512xf32>
      %reduce_sum3A_208 = arith.constant dense<0.000000e+00> : vector<1xf32>
      %reduce_sum3A_209 = vector.multi_reduction <add>, %reduce_sum3A_207, %reduce_sum3A_208 [1] : vector<1x512xf32> to vector<1xf32>
      %reduce_sum3A_210 = vector.shape_cast %reduce_sum3A_209 : vector<1xf32> to vector<1x1xf32>
      %reduce_sum3A_211 = vector.extract %reduce_sum3A_210[0, 0] : f32 from vector<1x1xf32>
      %swap3A = arith.constant 0 : index
      %swap3A_212 = arith.constant 0 : index
      %swap3A_213 = memref.load %arg3[%swap3A, %swap3A_212] : memref<1x3xf32, #tpu.memory_space<smem>>
      memref.store %reduce_sum3A_211, %arg3[%swap3A, %swap3A_212] : memref<1x3xf32, #tpu.memory_space<smem>>
      %slice3A_214 = vector.extract_strided_slice %get3A_204 {offsets = [1, 0], sizes = [1, 512], strides = [1, 1]} : vector<3x512xf32> to vector<1x512xf32>
      %squeeze3A_215 = vector.shape_cast %slice3A_214 : vector<1x512xf32> to vector<512xf32>
      %reduce_sum3A_216 = vector.shape_cast %squeeze3A_215 : vector<512xf32> to vector<1x512xf32>
      %reduce_sum3A_217 = arith.constant dense<0.000000e+00> : vector<1xf32>
      %reduce_sum3A_218 = vector.multi_reduction <add>, %reduce_sum3A_216, %reduce_sum3A_217 [1] : vector<1x512xf32> to vector<1xf32>
      %reduce_sum3A_219 = vector.shape_cast %reduce_sum3A_218 : vector<1xf32> to vector<1x1xf32>
      %reduce_sum3A_220 = vector.extract %reduce_sum3A_219[0, 0] : f32 from vector<1x1xf32>
      %swap3A_221 = arith.constant 0 : index
      %swap3A_222 = arith.constant 1 : index
      %swap3A_223 = memref.load %arg3[%swap3A_221, %swap3A_222] : memref<1x3xf32, #tpu.memory_space<smem>>
      memref.store %reduce_sum3A_220, %arg3[%swap3A_221, %swap3A_222] : memref<1x3xf32, #tpu.memory_space<smem>>
      %slice3A_224 = vector.extract_strided_slice %get3A_204 {offsets = [2, 0], sizes = [1, 512], strides = [1, 1]} : vector<3x512xf32> to vector<1x512xf32>
      %squeeze3A_225 = vector.shape_cast %slice3A_224 : vector<1x512xf32> to vector<512xf32>
      %reduce_sum3A_226 = vector.shape_cast %squeeze3A_225 : vector<512xf32> to vector<1x512xf32>
      %reduce_sum3A_227 = arith.constant dense<0.000000e+00> : vector<1xf32>
      %reduce_sum3A_228 = vector.multi_reduction <add>, %reduce_sum3A_226, %reduce_sum3A_227 [1] : vector<1x512xf32> to vector<1xf32>
      %reduce_sum3A_229 = vector.shape_cast %reduce_sum3A_228 : vector<1xf32> to vector<1x1xf32>
      %reduce_sum3A_230 = vector.extract %reduce_sum3A_229[0, 0] : f32 from vector<1x1xf32>
      %swap3A_231 = arith.constant 0 : index
      %swap3A_232 = arith.constant 2 : index
      %swap3A_233 = memref.load %arg3[%swap3A_231, %swap3A_232] : memref<1x3xf32, #tpu.memory_space<smem>>
      memref.store %reduce_sum3A_230, %arg3[%swap3A_231, %swap3A_232] : memref<1x3xf32, #tpu.memory_space<smem>>
    } else {
    }
    return
  }
  func.func @transform_0(%arg0: i32) -> (i32, i32, i32, i32) {
    %jit3A = arith.constant 2 : i32
    %div3A = arith.divsi %arg0, %jit3A : i32
    %sign3A = arith.constant 0 : i32
    %sign3A_0 = arith.cmpi sgt, %arg0, %sign3A : i32
    %sign3A_1 = arith.extui %sign3A_0 : i1 to i32
    %sign3A_2 = arith.constant 0 : i32
    %sign3A_3 = arith.cmpi slt, %arg0, %sign3A_2 : i32
    %sign3A_4 = arith.extui %sign3A_3 : i1 to i32
    %sign3A_5 = arith.subi %sign3A_1, %sign3A_4 : i32
    %sign3A_6 = arith.constant 0 : i32
    %sign3A_7 = arith.cmpi sgt, %jit3A, %sign3A_6 : i32
    %sign3A_8 = arith.extui %sign3A_7 : i1 to i32
    %sign3A_9 = arith.constant 0 : i32
    %sign3A_10 = arith.cmpi slt, %jit3A, %sign3A_9 : i32
    %sign3A_11 = arith.extui %sign3A_10 : i1 to i32
    %sign3A_12 = arith.subi %sign3A_8, %sign3A_11 : i32
    %ne3A = arith.cmpi ne, %sign3A_5, %sign3A_12 : i32
    %rem3A = arith.remsi %arg0, %jit3A : i32
    %ne3A_13 = arith.constant 0 : i32
    %ne3A_14 = arith.cmpi ne, %rem3A, %ne3A_13 : i32
    %and3A = arith.andi %ne3A, %ne3A_14 : i1
    %sub3A = arith.constant 1 : i32
    %sub3A_15 = arith.subi %div3A, %sub3A : i32
    %select_n3A = arith.select %and3A, %sub3A_15, %div3A : i32
    %jit3A_16 = arith.constant 2 : i32
    %eq3A = arith.constant 0 : i32
    %eq3A_17 = arith.cmpi eq, %jit3A_16, %eq3A : i32
    %jit3A_18 = arith.constant 1 : i32
    %select_n3A_19 = arith.select %eq3A_17, %jit3A_18, %jit3A_16 : i32
    %rem3A_20 = arith.remsi %arg0, %select_n3A_19 : i32
    %ne3A_21 = arith.constant 0 : i32
    %ne3A_22 = arith.cmpi ne, %rem3A_20, %ne3A_21 : i32
    %lt3A = arith.constant 0 : i32
    %lt3A_23 = arith.cmpi slt, %rem3A_20, %lt3A : i32
    %lt3A_24 = arith.constant 0 : i32
    %lt3A_25 = arith.cmpi slt, %select_n3A_19, %lt3A_24 : i32
    %ne3A_26 = arith.xori %lt3A_23, %lt3A_25 : i1
    %and3A_27 = arith.andi %ne3A_26, %ne3A_22 : i1
    %add3A = arith.addi %rem3A_20, %select_n3A_19 : i32
    %select_n3A_28 = arith.select %and3A_27, %add3A, %rem3A_20 : i32
    %c0_i32 = arith.constant 0 : i32
    %c0_i32_29 = arith.constant 0 : i32
    %c0_i32_30 = arith.constant 0 : i32
    return %select_n3A, %c0_i32, %select_n3A_28, %c0_i32_29 : i32, i32, i32, i32
  }
  func.func @transform_1(%arg0: i32) -> (i32, i32, i32) {
    %jit3A = arith.constant 2 : i32
    %div3A = arith.divsi %arg0, %jit3A : i32
    %sign3A = arith.constant 0 : i32
    %sign3A_0 = arith.cmpi sgt, %arg0, %sign3A : i32
    %sign3A_1 = arith.extui %sign3A_0 : i1 to i32
    %sign3A_2 = arith.constant 0 : i32
    %sign3A_3 = arith.cmpi slt, %arg0, %sign3A_2 : i32
    %sign3A_4 = arith.extui %sign3A_3 : i1 to i32
    %sign3A_5 = arith.subi %sign3A_1, %sign3A_4 : i32
    %sign3A_6 = arith.constant 0 : i32
    %sign3A_7 = arith.cmpi sgt, %jit3A, %sign3A_6 : i32
    %sign3A_8 = arith.extui %sign3A_7 : i1 to i32
    %sign3A_9 = arith.constant 0 : i32
    %sign3A_10 = arith.cmpi slt, %jit3A, %sign3A_9 : i32
    %sign3A_11 = arith.extui %sign3A_10 : i1 to i32
    %sign3A_12 = arith.subi %sign3A_8, %sign3A_11 : i32
    %ne3A = arith.cmpi ne, %sign3A_5, %sign3A_12 : i32
    %rem3A = arith.remsi %arg0, %jit3A : i32
    %ne3A_13 = arith.constant 0 : i32
    %ne3A_14 = arith.cmpi ne, %rem3A, %ne3A_13 : i32
    %and3A = arith.andi %ne3A, %ne3A_14 : i1
    %sub3A = arith.constant 1 : i32
    %sub3A_15 = arith.subi %div3A, %sub3A : i32
    %select_n3A = arith.select %and3A, %sub3A_15, %div3A : i32
    %jit3A_16 = arith.constant 2 : i32
    %eq3A = arith.constant 0 : i32
    %eq3A_17 = arith.cmpi eq, %jit3A_16, %eq3A : i32
    %jit3A_18 = arith.constant 1 : i32
    %select_n3A_19 = arith.select %eq3A_17, %jit3A_18, %jit3A_16 : i32
    %rem3A_20 = arith.remsi %arg0, %select_n3A_19 : i32
    %ne3A_21 = arith.constant 0 : i32
    %ne3A_22 = arith.cmpi ne, %rem3A_20, %ne3A_21 : i32
    %lt3A = arith.constant 0 : i32
    %lt3A_23 = arith.cmpi slt, %rem3A_20, %lt3A : i32
    %lt3A_24 = arith.constant 0 : i32
    %lt3A_25 = arith.cmpi slt, %select_n3A_19, %lt3A_24 : i32
    %ne3A_26 = arith.xori %lt3A_23, %lt3A_25 : i1
    %and3A_27 = arith.andi %ne3A_26, %ne3A_22 : i1
    %add3A = arith.addi %rem3A_20, %select_n3A_19 : i32
    %select_n3A_28 = arith.select %and3A_27, %add3A, %rem3A_20 : i32
    %c0_i32 = arith.constant 0 : i32
    %c0_i32_29 = arith.constant 0 : i32
    return %select_n3A, %select_n3A_28, %c0_i32 : i32, i32, i32
  }
  func.func @transform_2(%arg0: i32) -> (i32, i32) {
    %c0_i32 = arith.constant 0 : i32
    %c0_i32_0 = arith.constant 0 : i32
    %c0_i32_1 = arith.constant 0 : i32
    return %c0_i32, %c0_i32_0 : i32, i32
  }
}

</mosaic_0001>

<sc_bundles>
// kernel: kernel.4.cloned.1.call-start
scs
__scs_entry_jumppad:
0x0: {  	(pc) =	sbr.rel $0x88, $3  }
0x1: {  	(tag) =	ssettag $0x0;
	lr =	simm.s32 $0x1  }
0x2: {  	[smem:$0x3F9F] =	sst lr;
	_ =	strace $0xD0000000  }
0x3: {  	_ = 	snop  }
0x4: {  	_ = 	snop  }
0x5: {  	_ = 	snop  }
0x6: {  	_ = 	snop  }
0x7: {  	_ = 	snop  }
__scs_overlays_trampoline_lowered:
0x8: {  	[smem:$0x3FAE] =	sst s0  }
0x9: {  	[smem:$0x3FAF] =	sst s1  }
0xa: {  	[smem:$0x3FB0] =	sst s2  }
0xb: {  	[smem:$0x3FB1] =	sst s3  }
0xc: {  	[smem:$0x3FB2] =	sst s4  }
0xd: {  	[smem:$0x3FB3] =	sst s5  }
0xe: {  	[smem:$0x3FB4] =	sst s6  }
0xf: {  	[smem:$0x3FB5] =	sst s7  }
0x10: {  	[smem:$0x3FB6] =	sst s8  }
0x11: {  	[smem:$0x3FB7] =	sst s9;
	s0 =	simm.s32 @!p0 $0x0  }
0x12: {  	s1 =	sld [smem:$0x3F9D];
	s0 =	simm.s32 @p0 $0x1  }
0x13: {  	[smem:$0x3FB8] =	sst s0;
	s0 =	simm.s32 @!p1 $0x0  }
0x14: {  	s2 =	sld [smem:$0x3F9C];
	s0 =	simm.s32 @p1 $0x1  }
0x15: {  	[smem:$0x3FB9] =	sst s0;
	s0 =	simm.s32 @!p2 $0x0  }
0x16: {  	s3 =	sld [smem:$0x3FDB];
	s0 =	simm.s32 @p2 $0x1  }
0x17: {  	s4 =	simm.s32 $0x1BF5;
	[smem:$0x3FBB] =	sst s0  }
0x18: {  	s0 =	sld [smem:$0x3F9E];
	_ =	swait.ge [sflag:s4], $0x0  }
0x19: {  	s7 =	sld [smem:$0x3F9F]  }
0x1a: {  	s8 =	sadd.s32 $0xFFFFE003, lr  }
0x1b: {  	s9 =	sadd.s32 $0xFFFFFEF7, lr;
	s5 =	simm.s32 $0xFFFFFFFF;
	p2 =	slt.u32 s8, $0xFFFFF086  }
0x1c: {  	p1 =	slt.u32 s9, $0xF7A;
	s5 =	simm.s32 @!p2 $0x0  }
0x1d: {  	s5 =	simm.s32 @p1 $0x1;
	p0 =	seq.s32 s7, s2  }
0x1e: {  	s7 =	smul.u32 @!p0 $0xF7A, s2;
	p2 =	seq.s32 @!p0 s5, $0x0  }
0x1f: {  	s9 =	smul.u32 $0xF7A, s1;
	s8 =	simm.s32 @!p0 $0x1BF5;
	p2 =	por !p2, p0  }
0x20: {  	[sflag:s8] =	ssyncset.s32 @!p0 $0xFFFFF086;
	s6 =	sadd.s32 @!p0 s3, s7;
	s7 =	simm.s32 @!p0 $0x108  }
0x21: {  	s3 =	sadd.s32 s3, s9;
	s6 =	sadd.s32 @!p0 $0x88, s6;
	s7 =	simm.s32 @p2 $0x1082  }
0x22: {  	[simem:s7], [sflag:s8] =	dma.local @!p0 [hbm:s6], $0xF7A  }
0x23: {  	s9 =	sor.u32 $0xD0000000, s2;
	s6 =	simm.s32 $0x108;
	_ =	swait.ge @!p0 [sflag:s8], $0x0  }
0x24: {  	s3 =	sadd.s32 $0x88, s3;
	s6 =	simm.s32 @!p1 $0x1082;
	[sflag:s4] =	ssyncset.s32 $0xFFFFF086  }
0x25: {  	[simem:s6], [sflag:s4] =	dma.local [hbm:s3], $0xF7A  }
0x26: {  	[smem:$0x3F9F] =	sst s1;
	(tag) =	ssettag s2;
	_ =	strace s9  }
0x27: {  	s1 =	sld [smem:$0x3FAF]  }
0x28: {  	s2 =	sld [smem:$0x3FB0]  }
0x29: {  	s4 =	sld [smem:$0x3FB2]  }
0x2a: {  	p0 =	seq.s32 s5, $0x0;
	s5 =	sld [smem:$0x3FB3]  }
0x2b: {  	s6 =	sld [smem:$0x3FB4]  }
0x2c: {  	s7 =	sld [smem:$0x3FB5]  }
0x2d: {  	s3 =	simm.s32 $0x108;
	s8 =	sld [smem:$0x3FB6]  }
0x2e: {  	s3 =	simm.s32 @!p0 $0x1082;
	s9 =	sld [smem:$0x3FB7]  }
0x2f: {  	lr =	sadd.s32 s0, s3;
	s0 =	sld [smem:$0x3FAE]  }
0x30: {  	s3 =	sld [smem:$0x3FB1]  }
0x31: {  	[smem:$0x3FBA] =	sst s10  }
0x32: {  	s10 =	sld [smem:$0x3FB8];
	_ =	sdelay $0x3  }
0x33: {  	p0 =	seq.s32 s10, $0x1;
	s10 =	sld [smem:$0x3FBA];
	_ =	sdelay $0x3  }
0x34: {  	[smem:$0x3FBA] =	sst s10  }
0x35: {  	s10 =	sld [smem:$0x3FB9];
	_ =	sdelay $0x3  }
0x36: {  	p1 =	seq.s32 s10, $0x1;
	s10 =	sld [smem:$0x3FBA];
	_ =	sdelay $0x3  }
0x37: {  	[smem:$0x3FBA] =	sst s10  }
0x38: {  	s10 =	sld [smem:$0x3FBB]  }
0x39: {  	_ = 	snop;
	(pc) =	sbr.ind lr, $3  }
0x3a: {  	_ = 	snop  }
0x3b: {  	_ = 	snop  }
0x3c: {  	p2 =	seq.s32 s10, $0x1;
	s10 =	sld [smem:$0x3FBA]  }
0x3d: {  	_ =	shalt  }
0x3e: {  	_ =	shalt  }
0x3f: {  	_ =	shalt  }
0x40: {  	_ =	shalt  }
0x41: {  	_ =	shalt  }
0x42: {  	_ =	shalt  }
0x43: {  	_ =	shalt  }
0x44: {  	_ =	shalt  }
0x45: {  	_ =	shalt  }
0x46: {  	_ =	shalt  }
0x47: {  	_ =	shalt  }
0x48: {  	_ =	shalt  }
0x49: {  	_ =	shalt  }
0x4a: {  	_ =	shalt  }
0x4b: {  	_ =	shalt  }
0x4c: {  	_ =	shalt  }
0x4d: {  	_ =	shalt  }
0x4e: {  	_ =	shalt  }
0x4f: {  	_ =	shalt  }
0x50: {  	_ =	shalt  }
0x51: {  	_ =	shalt  }
0x52: {  	_ =	shalt  }
0x53: {  	_ =	shalt  }
0x54: {  	_ =	shalt  }
0x55: {  	_ =	shalt  }
0x56: {  	_ =	shalt  }
0x57: {  	_ =	shalt  }
0x58: {  	_ =	shalt  }
0x59: {  	_ =	shalt  }
0x5a: {  	_ =	shalt  }
0x5b: {  	_ =	shalt  }
0x5c: {  	_ =	shalt  }
0x5d: {  	_ =	shalt  }
0x5e: {  	_ =	shalt  }
0x5f: {  	_ =	shalt  }
0x60: {  	_ =	shalt  }
0x61: {  	_ =	shalt  }
0x62: {  	_ =	shalt  }
0x63: {  	_ =	shalt  }
0x64: {  	_ =	shalt  }
0x65: {  	_ =	shalt  }
0x66: {  	_ =	shalt  }
0x67: {  	_ =	shalt  }
0x68: {  	_ =	shalt  }
0x69: {  	_ =	shalt  }
0x6a: {  	_ =	shalt  }
0x6b: {  	_ =	shalt  }
0x6c: {  	_ =	shalt  }
0x6d: {  	_ =	shalt  }
0x6e: {  	_ =	shalt  }
0x6f: {  	_ =	shalt  }
0x70: {  	_ =	shalt  }
0x71: {  	_ =	shalt  }
0x72: {  	_ =	shalt  }
0x73: {  	_ =	shalt  }
0x74: {  	_ =	shalt  }
0x75: {  	_ =	shalt  }
0x76: {  	_ =	shalt  }
0x77: {  	_ =	shalt  }
0x78: {  	_ =	shalt  }
0x79: {  	_ =	shalt  }
0x7a: {  	_ =	shalt  }
0x7b: {  	_ =	shalt  }
0x7c: {  	_ =	shalt  }
0x7d: {  	_ =	shalt  }
0x7e: {  	_ =	shalt  }
0x7f: {  	_ =	shalt  }
0x80: {  	_ =	shalt  }
0x81: {  	_ =	shalt  }
0x82: {  	_ =	shalt  }
0x83: {  	_ =	shalt  }
0x84: {  	_ =	shalt  }
0x85: {  	_ =	shalt  }
0x86: {  	_ =	shalt  }
0x87: {  	_ =	shalt  }
.Lfunc_end0:
.L_simem_size_0:
called_computation_lowered:
.L_overlay_start_0:
0x88: {  	s2 =	sld [smem:$0x3FD9]  }
0x89: {  	s3 =	sld [smem:$0x3FFE];
	_ =	sdelay $0x1  }
0x8a: {  	s1 =	srdreg.scid  }
0x8b: {  	s0 =	sand.u32 $0x1, s1  }
0x8c: {  	s17 =	sshll.u32 s0, $0xA;
	s2 =	sadd.s32 s3, s2  }
0x8d: {  	s2 =	sadd.s32 s2, s17  }
0x8e: {  	[smem:$0x3FC6] =	sst s2  }
0x8f: {  	_ = 	snop  }
0x90: {  	s2 =	sld [smem:$0x3FC9]  }
0x91: {  	s18 =	sld [smem:$0x3FC8];
	(tm) =	ssettm $0x1  }
0x92: {  	s4 =	sld [smem:$0x3FFB];
	_ =	sdelay $0x3  }
0x93: {  	_ =	strace s4  }
0x94: {  	s4 =	sld [smem:$0x3FFC];
	_ =	sdelay $0x3  }
0x95: {  	_ =	strace s4  }
0x96: {  	s4 =	sld [smem:$0x3FFD];
	_ =	sdelay $0x3  }
0x97: {  	_ =	strace s4  }
0x98: {  	_ =	strace $0x8FFFFFFF  }
0x99: {  	s19 =	sld [smem:$0x3FDB];
	_ =	sdelay $0x1  }
0x9a: {  	s5 =	simm.s32 $_scs_section_size  }
0x9b: {  	s6 =	simm.s32 $_size__tile_overlayer_lowered;
	s7 =	simm.s32 $_tile_overlayer_lowered  }
0x9c: {  	s22 =	simm.s32 $0x1BFF;
	s21 =	sshll.u32 s7, $0x1;
	s4 =	sadd.s32 s5, s19  }
0x9d: {  	s8 =	simm.s32 $0x0;
	s20 =	sshll.u32 s6, $0x1;
	s6 =	sadd.s32 s21, s4  }
0x9e: {  	[timem:s8], [sflag:s22] =	dma.local [hbm:s6], s20  }
0x9f: {  	_ =	swait.ge [sflag:s22], s20  }
0xa0: {  	s5 =	ssub.s32 $0x0, s20;
	[sflag:s22] =	ssyncset.done $0x0  }
0xa1: {  	[sflag:s22] =	ssyncadd.s32 s5;
	_ =	sdelay $0x1  }
0xa2: {  	s23 =	simm.s32 $0x1B8B  }
0xa3: {  	_ =	swait.ge [sflag:s23], $0x1  }
0xa4: {  	[sflag:s23] =	ssyncset.done $0x0  }
0xa5: {  	s25 =	simm.s32 $0x1B8E;
	s24 =	sld [smem:$0x3FFE];
	[sflag:s23] =	ssyncadd.s32 $0xFFFFFFFF  }
0xa6: {  	s26 =	simm.s32 $execute0_lowered;
	[smem:$0x3FD2] =	sst s25  }
0xa7: {  	s6 =	sshll.u32 s26, $0x1;
	_ =	strace $0x80000046;
	[dreg:$0x1] =	wrdreg $0xFFFFFFFF  }
0xa8: {  	s28 =	simm.s32 $_size_execute0_lowered;
	s4 =	sadd.s32 s4, s6;
	[dreg:$0x0] =	wrdreg $0x0  }
0xa9: {  	s6 =	sshll.u32 s28, $0x1;
	[dreg:$0x2] =	wrdreg s4  }
0xaa: {  	[dreg:$0x3] =	wrdreg s6  }
0xab: {  	[dreg:$0x4] =	wrdreg $0xC0  }
0xac: {  	_ =	task [dreg:s8], $0x5FFFF  }
0xad: {  	[dreg:$0x1] =	wrdreg $0xFFFFFFFF  }
0xae: {  	[dreg:$0x0] =	wrdreg $0x60  }
0xaf: {  	[dreg:$0x2] =	wrdreg s2  }
0xb0: {  	[dreg:$0x3] =	wrdreg s18  }
0xb1: {  	[dreg:$0x4] =	wrdreg s24  }
0xb2: {  	[dreg:$0x5] =	wrdreg $0x9  }
0xb3: {  	_ =	task.clear_ibuf [dreg:s8], $0x6FFFF;
	_ =	strace $0x90000046  }
0xb4: {  	s29 =	simm.s32 $0x9;
	_ =	strace $0x80000048  }
0xb5: {  	_ =	swait.ge [sflag:s29], $0x1  }
0xb6: {  	[sflag:s29] =	ssyncadd.s32 $0xFFFFFFFF  }
0xb7: {  	_ =	strace $0x90000048  }
0xb8: {  	_ =	sfence  }
0xb9: {  	s30 =	sld [smem:$0x0];
	_ =	sdelay $0x2  }
0xba: {  	s31 =	sshll.u32 s1, $0xD;
	s1 =	sshrl.u32 s1, $0x2  }
0xbb: {  	s3 =	sand.u32 $0x4000, s31;
	s1 =	sadd.s32 s1, s30  }
0xbc: {  	s0 =	sor.u32 s3, s0;
	s1 =	sshll.u32 s1, $0x11  }
0xbd: {  	s0 =	sor.u32 s1, s0  }
0xbe: {  	s0 =	sadd.s32 $0x8F2B, s0  }
0xbf: {  	[sflag:s0] =	ssyncadd.remote.s32 $0x1  }
0xc0: {  	_ =	sfence.sel $0xFFFF  }
0xc1: {  	[dreg:$0x0] =	wrdreg $0xFFFFFFFF;
	(pc) =	sbr.abs _section_cstart, $3  }
0xc2: {  	[dreg:$0x1] =	wrdreg $0xFFFFFFFF  }
0xc3: {  	_ =	task.clear_ibuf [dreg:s8], $0x2FFFF;
	_ =	strace $0x9FFFFFFF  }
0xc4: {  	(tm) =	ssettm $0x7FFFFFFF  }
0xc5: {  	_ =	shalt  }
tec
execute0_lowered:
.L_overlay_start_1:
0x0: {  	(tag) =	ssettag $0x1  }
0x1: {  	s0 =	rddreg [dreg:$0x0]  }
0x2: {  	s1 =	rddreg [dreg:$0x1];
	s2 =	srdreg.scid  }
0x3: {  	s4 =	stileid.u32;
	s3 =	rddreg [dreg:$0x2]  }
0x4: {  	s5 =	simm.s32 $0x0;
	s25 =	simm.s32 $0x1;
	s2 =	sand.u32 $0x1, s2  }
0x5: {  	s4 =	sshll.u32 s4, $0x1;
	[smem:$0x7FF] =	sst s5;
	s28 =	sadd.s32 $0x428000, s0  }
0x6: {  	s29 =	sadd.s32 $0x430000, s0;
	s7 =	sadd.s32 $0x440000, s0;
	s8 =	sadd.s32 $0x448000, s0  }
0x7: {  	s9 =	sadd.s32 $0x450000, s0;
	s10 =	sadd.s32 $0x458000, s0;
	s11 =	sadd.s32 $0x460000, s0  }
0x8: {  	s12 =	sadd.s32 $0x468000, s0;
	s13 =	sadd.s32 $0x470000, s0;
	s14 =	sadd.s32 $0x478000, s0  }
0x9: {  	s15 =	sadd.s32 $0x480000, s0;
	s16 =	sadd.s32 $0x488000, s0;
	s17 =	sadd.s32 $0x490000, s0  }
0xa: {  	s18 =	sadd.s32 $0x498000, s0;
	s19 =	sadd.s32 $0x4A0000, s0;
	s20 =	sadd.s32 $0x4A8000, s0  }
0xb: {  	s21 =	sadd.s32 $0x4B0000, s0;
	s22 =	sadd.s32 $0x4B8000, s0;
	s23 =	sadd.s32 $0x38000, s1  }
0xc: {  	s4 =	sor.u32 s2, s4;
	s2 =	ssub.s32 $0x2, s2;
	_ =	strace $0x80000047  }
0xd: {  	[dreg:$0x17] =	wrdreg s28;
	s26 =	smul.u32 $0x6, s4;
	s6 =	sshrl.u32 s2, $0x1  }
0xe: {  	[dreg:$0x18] =	wrdreg s29;
	s4 =	sshll.u32 s4, $0xA;
	s2 =	ssub.s32 s2, s6  }
0xf: {  	[dreg:$0x16] =	wrdreg s4;
	s3 =	sadd.s32 s26, s3;
	s31 =	smax.u32 s2, $0x1  }
0x10: {  	s6 =	sadd.s32 $0x438000, s0;
	s30 =	sadd.s32 $0x600, s3;
	[dreg:$0x1a] =	wrdreg s31  }
0x11: {  	v0 =	vimm.f32 $0.0e+00;
	s2 =	simm.s32 $0x0;
	s26 =	simm.s32 $0x0;
	[dreg:$0x19] =	wrdreg s30  }
.LBB2_1:
0x12: {  	[dreg:$0x1b] =	wrdreg s2;
	p1 =	por $0x1, $0x1;
	v2 =	vimm.f32 $0.0e+00;
	v3 =	vimm.f32 $0.0e+00;
	v4 =	vimm.f32 $0.0e+00;
	s0 =	simm.s32 $0x0  }
.LBB2_2:
0x13: {  	s1 =	rddreg [dreg:$0x16]  }
0x14: {  	s4 =	rddreg [dreg:$0x17];
	s0 =	sor.u32 s1, s0  }
0x15: {  	s5 =	rddreg [dreg:$0x18];
	s1 =	sadd.s32 s0, s4  }
0x16: {  	[tilespmem:s26], [sflag:$0x1] =	stream.linear.gather [hbm4b:s1+s26], $0x1000, $0x38;
	[tilespmem:$0x14080] =	vst v63  }
0x17: {  	s2 =	simm.s32 $0x1000;
	s1 =	sadd.s32 s0, s5  }
0x18: {  	[tilespmem:s2], [sflag:$0x1] =	stream.linear.gather [hbm4b:s1+s26], $0x1000, $0x38;
	[tilespmem:$0x14080] =	vst v63  }
0x19: {  	s29 =	simm.s32 $0x2000;
	s24 =	sadd.s32 s0, s6  }
0x1a: {  	[tilespmem:s29], [sflag:$0x1] =	stream.linear.gather [hbm4b:s24+s26], $0x1000, $0x38;
	[tilespmem:$0x14080] =	vst v63  }
0x1b: {  	s31 =	simm.s32 $0x3000;
	s30 =	sadd.s32 s0, s7  }
0x1c: {  	[tilespmem:s31], [sflag:$0x1] =	stream.linear.gather [hbm4b:s30+s26], $0x1000, $0x38;
	[tilespmem:$0x14080] =	vst v63  }
0x1d: {  	s3 =	simm.s32 $0x4000;
	s2 =	sadd.s32 s0, s8  }
0x1e: {  	[tilespmem:s3], [sflag:$0x1] =	stream.linear.gather [hbm4b:s2+s26], $0x1000, $0x38;
	[tilespmem:$0x14080] =	vst v63  }
0x1f: {  	s4 =	sadd.s32 s0, s9;
	s5 =	simm.s32 $0x5000  }
0x20: {  	[tilespmem:s5], [sflag:$0x1] =	stream.linear.gather [hbm4b:s4+s26], $0x1000, $0x38;
	[tilespmem:$0x14080] =	vst v63  }
0x21: {  	s24 =	sadd.s32 s0, s10;
	s29 =	simm.s32 $0x6000  }
0x22: {  	[tilespmem:s29], [sflag:$0x1] =	stream.linear.gather [hbm4b:s24+s26], $0x1000, $0x38;
	[tilespmem:$0x14080] =	vst v63  }
0x23: {  	s30 =	sadd.s32 s0, s11;
	s31 =	simm.s32 $0x7000  }
0x24: {  	[tilespmem:s31], [sflag:$0x1] =	stream.linear.gather [hbm4b:s30+s26], $0x1000, $0x38;
	[tilespmem:$0x14080] =	vst v63  }
0x25: {  	s2 =	sadd.s32 s0, s12;
	s3 =	simm.s32 $0x8000  }
0x26: {  	[tilespmem:s3], [sflag:$0x1] =	stream.linear.gather [hbm4b:s2+s26], $0x1000, $0x38;
	[tilespmem:$0x14080] =	vst v63  }
0x27: {  	s4 =	sadd.s32 s0, s13;
	s5 =	simm.s32 $0x9000  }
0x28: {  	[tilespmem:s5], [sflag:$0x1] =	stream.linear.gather [hbm4b:s4+s26], $0x1000, $0x38;
	[tilespmem:$0x14080] =	vst v63  }
0x29: {  	s24 =	sadd.s32 s0, s14;
	s29 =	simm.s32 $0xA000  }
0x2a: {  	[tilespmem:s29], [sflag:$0x1] =	stream.linear.gather [hbm4b:s24+s26], $0x1000, $0x38;
	[tilespmem:$0x14080] =	vst v63  }
0x2b: {  	s30 =	sadd.s32 s0, s15;
	s31 =	simm.s32 $0xB000  }
0x2c: {  	[tilespmem:s31], [sflag:$0x1] =	stream.linear.gather [hbm4b:s30+s26], $0x1000, $0x38;
	[tilespmem:$0x14080] =	vst v63  }
0x2d: {  	s2 =	sadd.s32 s0, s16;
	s3 =	simm.s32 $0xC000  }
0x2e: {  	[tilespmem:s3], [sflag:$0x1] =	stream.linear.gather [hbm4b:s2+s26], $0x1000, $0x38;
	[tilespmem:$0x14080] =	vst v63  }
0x2f: {  	s4 =	sadd.s32 s0, s17;
	s5 =	simm.s32 $0xD000  }
0x30: {  	[tilespmem:s5], [sflag:$0x1] =	stream.linear.gather [hbm4b:s4+s26], $0x1000, $0x38;
	[tilespmem:$0x14080] =	vst v63  }
0x31: {  	s24 =	sadd.s32 s0, s18;
	s29 =	simm.s32 $0xE000  }
0x32: {  	[tilespmem:s29], [sflag:$0x1] =	stream.linear.gather [hbm4b:s24+s26], $0x1000, $0x38;
	[tilespmem:$0x14080] =	vst v63  }
0x33: {  	s30 =	sadd.s32 s0, s19;
	s31 =	simm.s32 $0xF000  }
0x34: {  	[tilespmem:s31], [sflag:$0x1] =	stream.linear.gather [hbm4b:s30+s26], $0x1000, $0x38;
	[tilespmem:$0x14080] =	vst v63  }
0x35: {  	s3 =	sadd.s32 s0, s20;
	s4 =	simm.s32 $0x10000  }
0x36: {  	[tilespmem:s4], [sflag:$0x1] =	stream.linear.gather [hbm4b:s3+s26], $0x1000, $0x38;
	[tilespmem:$0x14080] =	vst v63  }
0x37: {  	s5 =	sadd.s32 s0, s21;
	s24 =	simm.s32 $0x11000  }
0x38: {  	[tilespmem:s24], [sflag:$0x1] =	stream.linear.gather [hbm4b:s5+s26], $0x1000, $0x38;
	[tilespmem:$0x14080] =	vst v63  }
0x39: {  	s29 =	sadd.s32 s0, s22;
	s30 =	simm.s32 $0x12000  }
0x3a: {  	[tilespmem:s30], [sflag:$0x1] =	stream.linear.gather [hbm4b:s29+s26], $0x1000, $0x38;
	[tilespmem:$0x14080] =	vst v63  }
0x3b: {  	s0 =	sadd.s32 s0, s23;
	s31 =	simm.s32 $0x13000  }
0x3c: {  	[tilespmem:s31], [sflag:$0x1] =	stream.linear.gather [hbm4b:s0+s26], $0x1000, $0x38;
	[tilespmem:$0x14080] =	vst v63  }
0x3d: {  	_ =	swait.ge [sflag:s25], $0x1000  }
0x3e: {  	[sflag:s25] =	ssyncset.done $0x0  }
0x3f: {  	[sflag:s25] =	ssyncadd.s32 $0xFFFFF000  }
0x40: {  	_ =	swait.ge [sflag:s25], $0x1000  }
0x41: {  	[sflag:s25] =	ssyncset.done $0x0  }
0x42: {  	[sflag:s25] =	ssyncadd.s32 $0xFFFFF000  }
0x43: {  	_ =	swait.ge [sflag:s25], $0x1000  }
0x44: {  	[sflag:s25] =	ssyncset.done $0x0  }
0x45: {  	[sflag:s25] =	ssyncadd.s32 $0xFFFFF000  }
0x46: {  	_ =	swait.ge [sflag:s25], $0x1000  }
0x47: {  	[sflag:s25] =	ssyncset.done $0x0  }
0x48: {  	[sflag:s25] =	ssyncadd.s32 $0xFFFFF000  }
0x49: {  	_ =	swait.ge [sflag:s25], $0x1000  }
0x4a: {  	[sflag:s25] =	ssyncset.done $0x0  }
0x4b: {  	[sflag:s25] =	ssyncadd.s32 $0xFFFFF000  }
0x4c: {  	_ =	swait.ge [sflag:s25], $0x1000  }
0x4d: {  	[sflag:s25] =	ssyncset.done $0x0  }
0x4e: {  	[sflag:s25] =	ssyncadd.s32 $0xFFFFF000  }
0x4f: {  	_ =	swait.ge [sflag:s25], $0x1000  }
0x50: {  	[sflag:s25] =	ssyncset.done $0x0  }
0x51: {  	[sflag:s25] =	ssyncadd.s32 $0xFFFFF000  }
0x52: {  	_ =	swait.ge [sflag:s25], $0x1000  }
0x53: {  	[sflag:s25] =	ssyncset.done $0x0  }
0x54: {  	[sflag:s25] =	ssyncadd.s32 $0xFFFFF000  }
0x55: {  	_ =	swait.ge [sflag:s25], $0x1000  }
0x56: {  	[sflag:s25] =	ssyncset.done $0x0  }
0x57: {  	[sflag:s25] =	ssyncadd.s32 $0xFFFFF000  }
0x58: {  	_ =	swait.ge [sflag:s25], $0x1000  }
0x59: {  	[sflag:s25] =	ssyncset.done $0x0  }
0x5a: {  	[sflag:s25] =	ssyncadd.s32 $0xFFFFF000  }
0x5b: {  	_ =	swait.ge [sflag:s25], $0x1000  }
0x5c: {  	[sflag:s25] =	ssyncset.done $0x0  }
0x5d: {  	[sflag:s25] =	ssyncadd.s32 $0xFFFFF000  }
0x5e: {  	_ =	swait.ge [sflag:s25], $0x1000  }
0x5f: {  	[sflag:s25] =	ssyncset.done $0x0  }
0x60: {  	[sflag:s25] =	ssyncadd.s32 $0xFFFFF000  }
0x61: {  	_ =	swait.ge [sflag:s25], $0x1000  }
0x62: {  	[sflag:s25] =	ssyncset.done $0x0  }
0x63: {  	[sflag:s25] =	ssyncadd.s32 $0xFFFFF000  }
0x64: {  	_ =	swait.ge [sflag:s25], $0x1000  }
0x65: {  	[sflag:s25] =	ssyncset.done $0x0  }
0x66: {  	[sflag:s25] =	ssyncadd.s32 $0xFFFFF000  }
0x67: {  	_ =	swait.ge [sflag:s25], $0x1000  }
0x68: {  	[sflag:s25] =	ssyncset.done $0x0  }
0x69: {  	[sflag:s25] =	ssyncadd.s32 $0xFFFFF000  }
0x6a: {  	_ =	swait.ge [sflag:s25], $0x1000  }
0x6b: {  	[sflag:s25] =	ssyncset.done $0x0  }
0x6c: {  	[sflag:s25] =	ssyncadd.s32 $0xFFFFF000  }
0x6d: {  	_ =	swait.ge [sflag:s25], $0x1000  }
0x6e: {  	[sflag:s25] =	ssyncset.done $0x0  }
0x6f: {  	[sflag:s25] =	ssyncadd.s32 $0xFFFFF000  }
0x70: {  	_ =	swait.ge [sflag:s25], $0x1000  }
0x71: {  	[sflag:s25] =	ssyncset.done $0x0  }
0x72: {  	[sflag:s25] =	ssyncadd.s32 $0xFFFFF000  }
0x73: {  	_ =	swait.ge [sflag:s25], $0x1000  }
0x74: {  	[sflag:s25] =	ssyncset.done $0x0  }
0x75: {  	[sflag:s25] =	ssyncadd.s32 $0xFFFFF000  }
0x76: {  	_ =	swait.ge [sflag:s25], $0x1000  }
0x77: {  	[sflag:s25] =	ssyncset.done $0x0  }
0x78: {  	p0 =	por p1, p1;
	s28 =	simm.s32 $0x0;
	[sflag:s25] =	ssyncadd.s32 $0xFFFFF000  }
.LBB2_3:
0x79: {  	s29 =	sshll.u32 s28, $0x7  }
0x7a: {  	s0 =	sand.u32 $0x3FFFFF80, s29  }
0x7b: {  	s1 =	sadd.s32 $0x1000, s0  }
0x7c: {  	s24 =	sand.u32 $0xC00, s26;
	s5 =	sadd.s32 $0x2000, s0;
	[dreg:$0x4] =	wrdreg s1  }
0x7d: {  	s30 =	sand.u32 $0x70, s26;
	s3 =	sadd.s32 s29, s24;
	[dreg:$0x5] =	wrdreg s5  }
0x7e: {  	s4 =	sor.u32 s30, s3;
	s2 =	rddreg [dreg:$0x4]  }
0x7f: {  	s5 =	sadd.s32 $0x3000, s0;
	v1 =	vld [tilespmem:s4+$0x13000];
	s31 =	rddreg [dreg:$0x5]  }
0x80: {  	v5 =	vld [tilespmem:s4+$0x0];
	[dreg:$0x6] =	wrdreg s5;
	s4 =	sadd.s32 s24, s2  }
0x81: {  	s5 =	sadd.s32 $0x4000, s0;
	s3 =	rddreg [dreg:$0x6];
	s1 =	sadd.s32 s30, s4  }
0x82: {  	[dreg:$0x7] =	wrdreg s5;
	s4 =	sadd.s32 s24, s31;
	v6 =	vld [tilespmem:s1+$0x0]  }
0x83: {  	s5 =	sadd.s32 $0x5000, s0;
	s31 =	rddreg [dreg:$0x7];
	s1 =	sadd.s32 s30, s4  }
0x84: {  	[dreg:$0x8] =	wrdreg s5;
	s4 =	sadd.s32 s24, s3;
	vm0 =	veq.s32 v1, $0x0;
	v7 =	vld [tilespmem:s1+$0x0]  }
0x85: {  	s5 =	sadd.s32 $0x6000, s0;
	s3 =	rddreg [dreg:$0x8];
	s1 =	sadd.s32 s30, s4;
	v8 =	vnsel vm0, $0x0, v5  }
0x86: {  	[dreg:$0x9] =	wrdreg s5;
	v4 =	vadd.f32 v5, v4;
	s4 =	sadd.s32 s24, s31;
	vm0 =	veq.s32 v1, $0x1;
	v5 =	vld [tilespmem:s1+$0x0];
	v3 =	vadd.f32 v8, v3  }
0x87: {  	s5 =	sadd.s32 $0x7000, s0;
	s31 =	rddreg [dreg:$0x9];
	s1 =	sadd.s32 s30, s4;
	v8 =	vnsel vm0, $0x0, v6  }
0x88: {  	[dreg:$0xa] =	wrdreg s5;
	s4 =	sadd.s32 s24, s3;
	v4 =	vadd.f32 v6, v4;
	vm0 =	veq.s32 v1, $0x2;
	v6 =	vld [tilespmem:s1+$0x0];
	v3 =	vadd.f32 v8, v3  }
0x89: {  	s5 =	sadd.s32 $0x8000, s0;
	s3 =	rddreg [dreg:$0xa];
	s1 =	sadd.s32 s30, s4;
	v8 =	vnsel vm0, $0x0, v7  }
0x8a: {  	[dreg:$0xb] =	wrdreg s5;
	s5 =	sadd.s32 $0x9000, s0;
	s4 =	sadd.s32 s24, s31;
	vm0 =	veq.s32 v1, $0x3;
	v4 =	vadd.f32 v7, v4;
	v7 =	vld [tilespmem:s1+$0x0];
	v3 =	vadd.f32 v8, v3  }
0x8b: {  	[dreg:$0xc] =	wrdreg s5;
	s5 =	sadd.s32 $0xA000, s0;
	s1 =	sadd.s32 s30, s4;
	v8 =	vnsel vm0, $0x0, v5  }
0x8c: {  	[dreg:$0xd] =	wrdreg s5;
	s4 =	sadd.s32 s24, s3;
	vm0 =	veq.s32 v1, $0x4;
	v4 =	vadd.f32 v5, v4;
	v5 =	vld [tilespmem:s1+$0x0];
	v3 =	vadd.f32 v8, v3  }
0x8d: {  	s5 =	sadd.s32 $0xB000, s0;
	s31 =	rddreg [dreg:$0xb];
	s1 =	sadd.s32 s30, s4;
	v8 =	vnsel vm0, $0x0, v6  }
0x8e: {  	[dreg:$0xe] =	wrdreg s5;
	s4 =	sadd.s32 s24, s31;
	vm0 =	veq.s32 v1, $0x5;
	v4 =	vadd.f32 v6, v4;
	v6 =	vld [tilespmem:s1+$0x0];
	v3 =	vadd.f32 v8, v3  }
0x8f: {  	s5 =	sadd.s32 $0xC000, s0;
	s3 =	rddreg [dreg:$0xc];
	s1 =	sadd.s32 s30, s4;
	v8 =	vnsel vm0, $0x0, v7  }
0x90: {  	[dreg:$0xf] =	wrdreg s5;
	s4 =	sadd.s32 s24, s3;
	vm0 =	veq.s32 v1, $0x6;
	v4 =	vadd.f32 v7, v4;
	v7 =	vld [tilespmem:s1+$0x0];
	v3 =	vadd.f32 v8, v3  }
0x91: {  	s5 =	sadd.s32 $0xD000, s0;
	s31 =	rddreg [dreg:$0xd];
	s1 =	sadd.s32 s30, s4;
	v8 =	vnsel vm0, $0x0, v5  }
0x92: {  	[dreg:$0x10] =	wrdreg s5;
	s4 =	sadd.s32 s24, s31;
	vm0 =	veq.s32 v1, $0x7;
	v4 =	vadd.f32 v5, v4;
	v5 =	vld [tilespmem:s1+$0x0];
	v3 =	vadd.f32 v8, v3  }
0x93: {  	s5 =	sadd.s32 $0xE000, s0;
	s3 =	rddreg [dreg:$0xe];
	s1 =	sadd.s32 s30, s4;
	v8 =	vnsel vm0, $0x0, v6  }
0x94: {  	[dreg:$0x11] =	wrdreg s5;
	s4 =	sadd.s32 s24, s3;
	vm0 =	veq.s32 v1, $0x8;
	v4 =	vadd.f32 v6, v4;
	v6 =	vld [tilespmem:s1+$0x0];
	v3 =	vadd.f32 v8, v3  }
0x95: {  	s5 =	sadd.s32 $0x10000, s0;
	s31 =	rddreg [dreg:$0xf];
	s1 =	sadd.s32 s30, s4;
	v8 =	vnsel vm0, $0x0, v7  }
0x96: {  	[dreg:$0x13] =	wrdreg s5;
	s2 =	sadd.s32 s24, s31;
	vm0 =	veq.s32 v1, $0x9;
	v4 =	vadd.f32 v7, v4;
	v7 =	vld [tilespmem:s1+$0x0];
	v3 =	vadd.f32 v8, v3  }
0x97: {  	s3 =	rddreg [dreg:$0x10];
	s4 =	sadd.s32 $0xF000, s0;
	s1 =	sadd.s32 s30, s2;
	v8 =	vnsel vm0, $0x0, v5  }
0x98: {  	[dreg:$0x12] =	wrdreg s4;
	s4 =	sadd.s32 s24, s3;
	vm0 =	veq.s32 v1, $0xA;
	v4 =	vadd.f32 v5, v4;
	v5 =	vld [tilespmem:s1+$0x0];
	v3 =	vadd.f32 v8, v3  }
0x99: {  	s5 =	sadd.s32 $0x11000, s0;
	s31 =	rddreg [dreg:$0x11];
	s1 =	sadd.s32 s30, s4;
	v8 =	vnsel vm0, $0x0, v6  }
0x9a: {  	[dreg:$0x14] =	wrdreg s5;
	s0 =	sadd.s32 $0x12000, s0;
	s2 =	sadd.s32 s24, s31;
	vm0 =	veq.s32 v1, $0xB;
	v4 =	vadd.f32 v6, v4;
	v6 =	vld [tilespmem:s1+$0x0];
	v3 =	vadd.f32 v8, v3  }
0x9b: {  	[dreg:$0x15] =	wrdreg s0;
	s1 =	sadd.s32 s30, s2;
	v8 =	vnsel vm0, $0x0, v7  }
0x9c: {  	s3 =	rddreg [dreg:$0x12];
	vm0 =	veq.s32 v1, $0xC;
	v4 =	vadd.f32 v7, v4;
	v7 =	vld [tilespmem:s1+$0x0];
	v3 =	vadd.f32 v8, v3  }
0x9d: {  	vm1 =	vlt.u32 v1, $0x13;
	s4 =	rddreg [dreg:$0x13];
	v8 =	vnsel vm0, $0x0, v5  }
0x9e: {  	s2 =	sadd.s32 s24, s3;
	s3 =	sadd.s32 s24, s4;
	s4 =	rddreg [dreg:$0x15];
	vm0 =	veq.s32 v1, $0xD;
	v4 =	vadd.f32 v5, v4;
	v5 =	vadd.f32 v8, v3  }
0x9f: {  	s0 =	simm.s32 $0x10;
	s2 =	sadd.s32 s30, s2;
	s1 =	rddreg [dreg:$0x14];
	v8 =	vsel vm1, $0x3F800000, v0;
	v9 =	vnsel vm0, $0x0, v6  }
0xa0: {  	s5 =	sadd.s32 s30, s3;
	s3 =	rddreg [dreg:$0x4];
	s31 =	sadd.s32 s24, s1;
	v3 =	vld [tilespmem:s2+$0x0];
	vm0 =	veq.s32 v1, $0xE;
	v6 =	vadd.f32 v6, v4;
	v5 =	vadd.f32 v9, v5  }
0xa1: {  	s1 =	simm.s32 $0x80;
	s24 =	sadd.s32 s24, s4;
	v2 =	vadd.f32 v8, v2;
	v4 =	vld [tilespmem:s5+$0x0];
	s5 =	sadd.s32 s30, s31;
	v8 =	vnsel vm0, $0x0, v7  }
0xa2: {  	s2 =	sand.u32 $0x70, s0;
	s0 =	simm.s32 $0x20;
	s31 =	sand.u32 $0xC00, s1;
	vm0 =	veq.s32 v1, $0xF;
	v6 =	vadd.f32 v7, v6;
	v7 =	vadd.f32 v8, v5;
	v5 =	vld [tilespmem:s5+$0x0]  }
.LBB2_4:
0xa3: {  	_ =	sdelay $0x1  }
0xa4: {  	s4 =	sadd.s32 s29, s31;
	s5 =	sadd.s32 s30, s24;
	v8 =	vnsel vm0, $0x0, v3  }
0xa5: {  	s4 =	sor.u32 s2, s4;
	v3 =	vadd.f32 v3, v6;
	vm0 =	veq.s32 v1, $0x10;
	v6 =	vadd.f32 v8, v7;
	v7 =	vld [tilespmem:s5+$0x0]  }
0xa6: {  	v8 =	vld [tilespmem:s4+$0x13000];
	v9 =	vnsel vm0, $0x0, v4  }
0xa7: {  	s30 =	smov.u32 s2;
	s3 =	sadd.s32 s31, s3;
	v10 =	vld [tilespmem:s4+$0x0];
	vm0 =	veq.s32 v1, $0x11;
	v3 =	vadd.f32 v4, v3;
	v4 =	vadd.f32 v9, v6  }
0xa8: {  	s24 =	rddreg [dreg:$0x5];
	s3 =	sadd.s32 s30, s3;
	v6 =	vnsel vm0, $0x0, v5  }
0xa9: {  	s2 =	sadd.s32 s31, s24;
	v63 =	vld [tilespmem:s3+$0x0];
	vm0 =	veq.s32 v1, $0x12;
	v3 =	vadd.f32 v5, v3;
	v4 =	vadd.f32 v6, v4  }
0xaa: {  	s2 =	sadd.s32 s30, s2;
	s5 =	rddreg [dreg:$0x6];
	v6 =	vnsel vm0, $0x0, v7  }
0xab: {  	s4 =	sadd.s32 s31, s5;
	v5 =	vld [tilespmem:s2+$0x0];
	vm0 =	veq.s32 v8, $0x0;
	v3 =	vadd.f32 v7, v3;
	v1 =	vmovc v8;
	v4 =	vadd.f32 v6, v4  }
0xac: {  	s24 =	rddreg [dreg:$0x7];
	s2 =	sadd.s32 s30, s4;
	vm1 =	vlt.u32 v1, $0x13;
	v6 =	vnsel vm0, $0x0, v10  }
0xad: {  	s5 =	sadd.s32 s31, s24;
	vm0 =	veq.s32 v1, $0x1;
	v3 =	vadd.f32 v10, v3;
	v4 =	vadd.f32 v6, v4;
	v6 =	vld [tilespmem:s2+$0x0]  }
0xae: {  	s4 =	rddreg [dreg:$0x8];
	v7 =	vsel vm1, $0x3F800000, v0;
	v8 =	vnsel vm0, $0x0, v63;
	s2 =	sadd.s32 s30, s5  }
0xaf: {  	s4 =	sadd.s32 s31, s4;
	vm0 =	veq.s32 v1, $0x2;
	v3 =	vadd.f32 v63, v3;
	v4 =	vadd.f32 v8, v4;
	v8 =	vld [tilespmem:s2+$0x0]  }
0xb0: {  	s24 =	rddreg [dreg:$0x9];
	v2 =	vadd.f32 v7, v2;
	v7 =	vnsel vm0, $0x0, v5;
	s2 =	sadd.s32 s30, s4  }
0xb1: {  	vm0 =	veq.s32 v1, $0x3;
	s5 =	sadd.s32 s31, s24;
	v3 =	vadd.f32 v5, v3;
	v5 =	vld [tilespmem:s2+$0x0];
	v4 =	vadd.f32 v7, v4  }
0xb2: {  	s4 =	rddreg [dreg:$0xa];
	s2 =	sadd.s32 s30, s5;
	v7 =	vnsel vm0, $0x0, v6  }
0xb3: {  	s4 =	sadd.s32 s31, s4;
	v3 =	vadd.f32 v6, v3;
	vm0 =	veq.s32 v1, $0x4;
	v6 =	vld [tilespmem:s2+$0x0];
	v4 =	vadd.f32 v7, v4  }
0xb4: {  	s24 =	rddreg [dreg:$0xb];
	s2 =	sadd.s32 s30, s4;
	v7 =	vnsel vm0, $0x0, v8  }
0xb5: {  	s5 =	sadd.s32 s31, s24;
	v3 =	vadd.f32 v8, v3;
	vm0 =	veq.s32 v1, $0x5;
	v4 =	vadd.f32 v7, v4;
	v7 =	vld [tilespmem:s2+$0x0]  }
0xb6: {  	s4 =	rddreg [dreg:$0xc];
	v8 =	vnsel vm0, $0x0, v5;
	s2 =	sadd.s32 s30, s5  }
0xb7: {  	s4 =	sadd.s32 s31, s4;
	vm0 =	veq.s32 v1, $0x6;
	v3 =	vadd.f32 v5, v3;
	v5 =	vld [tilespmem:s2+$0x0];
	v4 =	vadd.f32 v8, v4  }
0xb8: {  	s24 =	rddreg [dreg:$0xd];
	s2 =	sadd.s32 s30, s4;
	v8 =	vnsel vm0, $0x0, v6  }
0xb9: {  	s5 =	sadd.s32 s31, s24;
	vm0 =	veq.s32 v1, $0x7;
	v3 =	vadd.f32 v6, v3;
	v6 =	vld [tilespmem:s2+$0x0];
	v4 =	vadd.f32 v8, v4  }
0xba: {  	s4 =	rddreg [dreg:$0xe];
	s2 =	sadd.s32 s30, s5;
	v8 =	vnsel vm0, $0x0, v7  }
0xbb: {  	s4 =	sadd.s32 s31, s4;
	v3 =	vadd.f32 v7, v3;
	vm0 =	veq.s32 v1, $0x8;
	v7 =	vld [tilespmem:s2+$0x0];
	v4 =	vadd.f32 v8, v4  }
0xbc: {  	s24 =	rddreg [dreg:$0xf];
	s2 =	sadd.s32 s30, s4;
	v8 =	vnsel vm0, $0x0, v5  }
0xbd: {  	s5 =	sadd.s32 s31, s24;
	vm0 =	veq.s32 v1, $0x9;
	v3 =	vadd.f32 v5, v3;
	v5 =	vld [tilespmem:s2+$0x0];
	v4 =	vadd.f32 v8, v4  }
0xbe: {  	s4 =	rddreg [dreg:$0x10];
	s2 =	sadd.s32 s30, s5;
	v8 =	vnsel vm0, $0x0, v6  }
0xbf: {  	s4 =	sadd.s32 s31, s4;
	vm0 =	veq.s32 v1, $0xA;
	v3 =	vadd.f32 v6, v3;
	v6 =	vld [tilespmem:s2+$0x0];
	v4 =	vadd.f32 v8, v4  }
0xc0: {  	s24 =	rddreg [dreg:$0x11];
	s2 =	sadd.s32 s30, s4;
	v8 =	vnsel vm0, $0x0, v7  }
0xc1: {  	s5 =	sadd.s32 s31, s24;
	vm0 =	veq.s32 v1, $0xB;
	v3 =	vadd.f32 v7, v3;
	v7 =	vld [tilespmem:s2+$0x0];
	v4 =	vadd.f32 v8, v4  }
0xc2: {  	s2 =	sadd.s32 s30, s5;
	v8 =	vnsel vm0, $0x0, v5  }
0xc3: {  	vm0 =	veq.s32 v1, $0xC;
	v3 =	vadd.f32 v5, v3;
	v5 =	vld [tilespmem:s2+$0x0];
	v4 =	vadd.f32 v8, v4  }
0xc4: {  	p1 =	sne.s32 s0, $0x1F0;
	s1 =	sadd.s32 $0x80, s1;
	s4 =	rddreg [dreg:$0x12];
	v8 =	vnsel vm0, $0x0, v6  }
.Ltmp0:
0xc5: {  	s24 =	rddreg [dreg:$0x13];
	s4 =	sadd.s32 s31, s4;
	vm0 =	veq.s32 v1, $0xD;
	v6 =	vadd.f32 v6, v3;
	v4 =	vadd.f32 v8, v4;
	(pc) =	sbr.rel @p1 .LBB2_4-.Ltmp0, $4  }
0xc6: {  	s5 =	sadd.s32 s31, s24;
	s2 =	sadd.s32 s30, s4;
	s4 =	rddreg [dreg:$0x14];
	v8 =	vnsel vm0, $0x0, v7  }
0xc7: {  	s24 =	rddreg [dreg:$0x15];
	s4 =	sadd.s32 s31, s4;
	v3 =	vld [tilespmem:s2+$0x0];
	s2 =	sadd.s32 s30, s5;
	vm0 =	veq.s32 v1, $0xE;
	v6 =	vadd.f32 v7, v6;
	v7 =	vadd.f32 v8, v4  }
0xc8: {  	s3 =	rddreg [dreg:$0x4];
	s24 =	sadd.s32 s31, s24;
	s4 =	sadd.s32 s30, s4;
	v4 =	vld [tilespmem:s2+$0x0];
	v8 =	vnsel vm0, $0x0, v5  }
0xc9: {  	s31 =	sand.u32 $0xC00, s1;
	s2 =	sand.u32 $0x70, s0;
	s0 =	sadd.s32 $0x10, s0;
	vm0 =	veq.s32 v1, $0xF;
	v6 =	vadd.f32 v5, v6;
	v5 =	vld [tilespmem:s4+$0x0];
	v7 =	vadd.f32 v8, v7  }
0xca: {  	_ =	sdelay $0x1  }
0xcb: {  	s0 =	sadd.s32 s29, s31;
	s1 =	sadd.s32 s30, s24;
	v8 =	vnsel vm0, $0x0, v3  }
0xcc: {  	vm6 =	veq.s32 v1, $0x10;
	s0 =	sor.u32 s2, s0;
	v46 =	vld [tilespmem:s1+$0x0];
	v6 =	vadd.f32 v3, v6;
	v7 =	vadd.f32 v8, v7  }
0xcd: {  	v3 =	vld [tilespmem:s0+$0x13000];
	v9 =	vnsel vm6, $0x0, v4  }
0xce: {  	s5 =	sadd.s32 s31, s3;
	vm7 =	veq.s32 v1, $0x11;
	v10 =	vld [tilespmem:s0+$0x0];
	v4 =	vadd.f32 v4, v6;
	v6 =	vadd.f32 v9, v7  }
0xcf: {  	s4 =	rddreg [dreg:$0x5];
	s0 =	sadd.s32 s2, s5;
	v7 =	vnsel vm7, $0x0, v5  }
0xd0: {  	vm8 =	veq.s32 v1, $0x12;
	s29 =	sadd.s32 s31, s4;
	v47 =	vld [tilespmem:s0+$0x0];
	v4 =	vadd.f32 v5, v4;
	v5 =	vadd.f32 v7, v6  }
0xd1: {  	s24 =	rddreg [dreg:$0x6];
	s0 =	sadd.s32 s2, s29;
	v1 =	vnsel vm8, $0x0, v46  }
0xd2: {  	s3 =	sadd.s32 s31, s24;
	vm9 =	veq.s32 v3, $0x0;
	v6 =	vld [tilespmem:s0+$0x0];
	v4 =	vadd.f32 v46, v4;
	v1 =	vadd.f32 v1, v5  }
0xd3: {  	s30 =	rddreg [dreg:$0x7];
	s0 =	sadd.s32 s2, s3;
	v5 =	vnsel vm9, $0x0, v10  }
0xd4: {  	s5 =	sadd.s32 s31, s30;
	vm10 =	veq.s32 v3, $0x1;
	v4 =	vadd.f32 v10, v4;
	v1 =	vadd.f32 v5, v1;
	v5 =	vld [tilespmem:s0+$0x0]  }
0xd5: {  	s4 =	rddreg [dreg:$0x8];
	v7 =	vnsel vm10, $0x0, v47;
	s0 =	sadd.s32 s2, s5  }
0xd6: {  	s29 =	sadd.s32 s31, s4;
	vm11 =	veq.s32 v3, $0x2;
	v4 =	vadd.f32 v47, v4;
	v1 =	vadd.f32 v7, v1;
	v7 =	vld [tilespmem:s0+$0x0]  }
0xd7: {  	s24 =	rddreg [dreg:$0x9];
	v48 =	vnsel vm11, $0x0, v6;
	s0 =	sadd.s32 s2, s29  }
0xd8: {  	s1 =	sadd.s32 s31, s24;
	vm12 =	veq.s32 v3, $0x3;
	v4 =	vadd.f32 v6, v4;
	v6 =	vld [tilespmem:s0+$0x0];
	v1 =	vadd.f32 v48, v1  }
0xd9: {  	s30 =	rddreg [dreg:$0xa];
	s0 =	sadd.s32 s2, s1;
	v49 =	vnsel vm12, $0x0, v5  }
0xda: {  	vm13 =	veq.s32 v3, $0x4;
	s5 =	sadd.s32 s31, s30;
	v4 =	vadd.f32 v5, v4;
	v5 =	vld [tilespmem:s0+$0x0];
	v1 =	vadd.f32 v49, v1  }
0xdb: {  	s4 =	rddreg [dreg:$0xb];
	s0 =	sadd.s32 s2, s5;
	v50 =	vnsel vm13, $0x0, v7  }
0xdc: {  	vm14 =	veq.s32 v3, $0x5;
	s29 =	sadd.s32 s31, s4;
	v4 =	vadd.f32 v7, v4;
	v7 =	vld [tilespmem:s0+$0x0];
	v1 =	vadd.f32 v50, v1  }
0xdd: {  	s24 =	rddreg [dreg:$0xc];
	s0 =	sadd.s32 s2, s29;
	v51 =	vnsel vm14, $0x0, v6  }
0xde: {  	vm15 =	veq.s32 v3, $0x6;
	s3 =	sadd.s32 s31, s24;
	v4 =	vadd.f32 v6, v4;
	v6 =	vld [tilespmem:s0+$0x0];
	v1 =	vadd.f32 v51, v1  }
0xdf: {  	s30 =	rddreg [dreg:$0xd];
	s0 =	sadd.s32 s2, s3;
	v52 =	vnsel vm15, $0x0, v5  }
0xe0: {  	vm4 =	veq.s32 v3, $0x7;
	s5 =	sadd.s32 s31, s30;
	v4 =	vadd.f32 v5, v4;
	v5 =	vld [tilespmem:s0+$0x0];
	v1 =	vadd.f32 v52, v1  }
0xe1: {  	s4 =	rddreg [dreg:$0xe];
	s0 =	sadd.s32 s2, s5;
	v53 =	vnsel vm4, $0x0, v7  }
0xe2: {  	vm5 =	veq.s32 v3, $0x8;
	s29 =	sadd.s32 s31, s4;
	v4 =	vadd.f32 v7, v4;
	v7 =	vld [tilespmem:s0+$0x0];
	v1 =	vadd.f32 v53, v1  }
0xe3: {  	s24 =	rddreg [dreg:$0xf];
	s0 =	sadd.s32 s2, s29;
	v54 =	vnsel vm5, $0x0, v6  }
0xe4: {  	vm6 =	veq.s32 v3, $0x9;
	s1 =	sadd.s32 s31, s24;
	v4 =	vadd.f32 v6, v4;
	v6 =	vld [tilespmem:s0+$0x0];
	v1 =	vadd.f32 v54, v1  }
0xe5: {  	s30 =	rddreg [dreg:$0x10];
	s0 =	sadd.s32 s2, s1;
	v55 =	vnsel vm6, $0x0, v5  }
0xe6: {  	vm7 =	veq.s32 v3, $0xA;
	s5 =	sadd.s32 s31, s30;
	v4 =	vadd.f32 v5, v4;
	v5 =	vld [tilespmem:s0+$0x0];
	v1 =	vadd.f32 v55, v1  }
0xe7: {  	s4 =	rddreg [dreg:$0x11];
	s0 =	sadd.s32 s2, s5;
	v56 =	vnsel vm7, $0x0, v7  }
0xe8: {  	vm8 =	veq.s32 v3, $0xB;
	s29 =	sadd.s32 s31, s4;
	v4 =	vadd.f32 v7, v4;
	v7 =	vld [tilespmem:s0+$0x0];
	v1 =	vadd.f32 v56, v1  }
0xe9: {  	s24 =	rddreg [dreg:$0x12];
	s0 =	sadd.s32 s2, s29;
	v57 =	vnsel vm8, $0x0, v6  }
0xea: {  	vm9 =	veq.s32 v3, $0xC;
	s4 =	sadd.s32 s31, s24;
	v4 =	vadd.f32 v6, v4;
	v6 =	vld [tilespmem:s0+$0x0];
	v1 =	vadd.f32 v57, v1  }
0xeb: {  	s30 =	rddreg [dreg:$0x13];
	s0 =	sadd.s32 s2, s4;
	v58 =	vnsel vm9, $0x0, v5  }
0xec: {  	vm10 =	veq.s32 v3, $0xD;
	s24 =	sadd.s32 s31, s30;
	v4 =	vadd.f32 v5, v4;
	v5 =	vld [tilespmem:s0+$0x0];
	v1 =	vadd.f32 v58, v1  }
0xed: {  	s5 =	rddreg [dreg:$0x14];
	s0 =	sadd.s32 s2, s24;
	v59 =	vnsel vm10, $0x0, v7  }
0xee: {  	vm11 =	veq.s32 v3, $0xE;
	s30 =	sadd.s32 s31, s5;
	v4 =	vadd.f32 v7, v4;
	v7 =	vld [tilespmem:s0+$0x0];
	v1 =	vadd.f32 v59, v1  }
0xef: {  	s29 =	rddreg [dreg:$0x15];
	s0 =	sadd.s32 s2, s30;
	v60 =	vnsel vm11, $0x0, v6  }
0xf0: {  	vm12 =	veq.s32 v3, $0xF;
	s31 =	sadd.s32 s31, s29;
	v4 =	vadd.f32 v6, v4;
	v6 =	vld [tilespmem:s0+$0x0];
	v1 =	vadd.f32 v60, v1  }
0xf1: {  	s0 =	sadd.s32 s2, s31;
	v61 =	vnsel vm12, $0x0, v5  }
0xf2: {  	s28 =	sadd.s32 $0x1, s28;
	vm13 =	veq.s32 v3, $0x10;
	v4 =	vadd.f32 v5, v4;
	v5 =	vld [tilespmem:s0+$0x0];
	v1 =	vadd.f32 v61, v1  }
0xf3: {  	p1 =	sne.s32 s28, $0x8;
	v62 =	vnsel vm13, $0x0, v7  }
.Ltmp1:
0xf4: {  	vm14 =	veq.s32 v3, $0x11;
	v4 =	vadd.f32 v7, v4;
	v1 =	vadd.f32 v62, v1;
	(pc) =	sbr.rel @p1 .LBB2_3-.Ltmp1, $4  }
0xf5: {  	vm1 =	vlt.u32 v3, $0x13;
	vm15 =	veq.s32 v3, $0x12;
	v63 =	vnsel vm14, $0x0, v6  }
0xf6: {  	v7 =	vsel vm1, $0x3F800000, v0;
	v4 =	vadd.f32 v6, v4;
	v1 =	vadd.f32 v63, v1  }
0xf7: {  	v2 =	vadd.f32 v7, v2;
	v3 =	vnsel vm15, $0x0, v5  }
0xf8: {  	v4 =	vadd.f32 v5, v4;
	v3 =	vadd.f32 v3, v1  }
.Ltmp2:
0xf9: {  	(pc) =	sbr.rel @p0 .LBB2_2-.Ltmp2, $2  }
0xfa: {  	_ =	sdelay $0x2  }
0xfb: {  	s0 =	simm.s32 $0x200;
	p1 =	por $0x0, $0x0  }
0xfc: {  	[tilespmem:$0x14000] =	vst v4  }
0xfd: {  	[tilespmem:$0x14010] =	vst v3;
	s0 =	simm.s32 $0x0  }
0xfe: {  	[tilespmem:$0x14020] =	vst v2;
	s1 =	rddreg [dreg:$0x19];
	s2 =	simm.s32 $0x14000;
	s29 =	simm.s32 $0x2  }
0xff: {  	[hbm4b:s1+s0] =	stream.linear.scatter [tilespmem:s2], [sflag:$0x2], $0x30, $0x38;
	[tilespmem:$0x14080] =	vst v63  }
0x100: {  	_ =	swait.ge [sflag:s29], $0x30  }
0x101: {  	s30 =	rddreg [dreg:$0x1b]  }
0x102: {  	s31 =	rddreg [dreg:$0x1a];
	s2 =	sadd.s32 $0x1, s30  }
0x103: {  	p0 =	sne.s32 s2, s31  }
.Ltmp3:
0x104: {  	_ = 	snop;
	(pc) =	sbr.rel @p0 .LBB2_1-.Ltmp3, $3  }
0x105: {  	_ =	sdelay $0x1  }
0x106: {  	[sflag:s29] =	ssyncset.done $0x0  }
0x107: {  	[sflag:s29] =	ssyncadd.s32 $0xFFFFFFD0  }
0x108: {  	_ =	sfence.sel $0x180000  }
0x109: {  	[bflag:$0x0] =	sbarrier.arrive $0xFFFF  }
0x10a: {  	_ =	strace $0x90000047  }
0x10b: {  	s0 =	stileid.u32;
	[bflag:$0x2] =	sbarrier.arrive $0xFFFF  }
0x10c: {  	p0 =	sne.s32 s0, $0x0;
	s0 =	rddreg [dreg:$0x3]  }
0x10d: {  	s0 =	sadd.s32 @!p0 $0x100000, s0  }
0x10e: {  	[sflag:s0] =	ssyncadd.tile.s32 @!p0 $0x1;
	_ =	shalt  }
.Lfunc_end2:
_tile_overlayer_lowered:
.L_overlay_start_2:
0x10f: {  	(tag) =	ssettag $0x2  }
0x110: {  	s0 =	rddreg [dreg:$0x0];
	s2 =	stileid.u32  }
0x111: {  	s1 =	rddreg [dreg:$0x1];
	p0 =	sne.s32 s2, $0x0  }
0x112: {  	s3 =	rddreg [dreg:$0x2];
	[bflag:$0x3] =	sbarrier.arrive $0xFFFF;
	s2 =	simm.s32 @!p0 $0x1C02  }
0x113: {  	[timem:s3], [sflag:s2] =	dma.local @!p0 [hbm:s0], s1  }
0x114: {  	s0 =	simm.s32 @!p0 $0x2  }
0x115: {  	_ =	swait.ge @!p0 [sflag:s0], s1  }
0x116: {  	s1 =	ssub.s32 @!p0 $0x0, s1;
	[sflag:s0] =	ssyncset.done @!p0 $0x0  }
0x117: {  	[sflag:s0] =	ssyncadd.s32 @!p0 s1  }
0x118: {  	[bflag:$0x3] =	sbarrier.arrive $0xFFFF  }
0x119: {  	_ =	shalt  }

</sc_bundles>
